<compile_context>
chip_gen: v7x
topology: tpu7x:2x2x1
jax: 0.10.2.dev20260603
libtpu: 0.0.44.dev20260713+nightly
codegen_flags: <defaults>
</compile_context>

<pallas_src>
import functools
import jax
import jax.numpy as jnp
from jax import lax
from jax.experimental import pallas as pl
from jax.experimental.pallas import tpu as pltpu
from jax.experimental.pallas import tpu_sc as plsc

B = 16384
HIDDEN = 256
NUM_SE = 963
BLK = 4096
NB = B // BLK

NW = 32
B_PER_W = B // NW
CHUNK = 128


def _sc_gather_fn():
    mesh = plsc.VectorSubcoreMesh(core_axis_name="c", subcore_axis_name="s")

    @functools.partial(
        pl.kernel, mesh=mesh,
        out_type=jax.ShapeDtypeStruct((B, HIDDEN), jnp.float32),
        scratch_types=[
            pltpu.VMEM((CHUNK,), jnp.int32),
            pltpu.VMEM((CHUNK,), jnp.int32),
            pltpu.VMEM((CHUNK, HIDDEN), jnp.float32),
            pltpu.VMEM((CHUNK, HIDDEN), jnp.float32),
            pltpu.SemaphoreType.DMA,
            pltpu.SemaphoreType.DMA,
            pltpu.SemaphoreType.DMA,
            pltpu.SemaphoreType.DMA,
        ],
    )
    def gk(d_hbm, idx_hbm, out_hbm, idx0, idx1, rows0, rows1,
           gs0, gs1, os0, os1):
        wid = lax.axis_index("s") * 2 + lax.axis_index("c")
        base = wid * B_PER_W
        n = B_PER_W // CHUNK
        bufs = [(idx0, rows0, gs0, os0), (idx1, rows1, gs1, os1)]
        dmas = [None, None]
        outs = [None, None]
        pltpu.sync_copy(idx_hbm.at[pl.ds(base, CHUNK)], idx0)
        dmas[0] = pltpu.async_copy(d_hbm.at[idx0], rows0, gs0)
        for c in range(n):
            ii, rr, gs, os = bufs[c % 2]
            if c + 1 < n:
                i2, r2, g2, _ = bufs[(c + 1) % 2]
                if outs[(c + 1) % 2] is not None:
                    outs[(c + 1) % 2].wait()
                pltpu.sync_copy(
                    idx_hbm.at[pl.ds(base + (c + 1) * CHUNK, CHUNK)], i2)
                dmas[(c + 1) % 2] = pltpu.async_copy(d_hbm.at[i2], r2, g2)
            dmas[c % 2].wait()
            outs[c % 2] = pltpu.async_copy(
                rr, out_hbm.at[pl.ds(base + c * CHUNK, CHUNK)], os)
        outs[(n - 1) % 2].wait()
        outs[(n - 2) % 2].wait()

    return gk


def _tc_body(zi_ref, zj_ref, r_ref, g_ref, out_ref):
    g = g_ref[...]
    d2 = g * g
    rz = jax.lax.dot_general(
        zj_ref[...], r_ref[...],
        dimension_numbers=(((1,), (1,)), ((), ())),
        preferred_element_type=jnp.float32)
    prod = zi_ref[...] * rz * d2
    ones = jnp.ones((8, HIDDEN), dtype=jnp.float32)
    s = jax.lax.dot_general(
        ones, prod,
        dimension_numbers=(((1,), (1,)), ((), ())),
        preferred_element_type=jnp.float32)
    out_ref[0, 0, :] = jax.nn.sigmoid(s[0, :])


def kernel(z_i, z_j, R, D, se_indices):
    se32 = se_indices.astype(jnp.int32)
    rows = _sc_gather_fn()(D, se32)
    out = pl.pallas_call(
        _tc_body,
        grid=(NB,),
        in_specs=[
            pl.BlockSpec((BLK, HIDDEN), lambda i: (i, 0)),
            pl.BlockSpec((BLK, HIDDEN), lambda i: (i, 0)),
            pl.BlockSpec((HIDDEN, HIDDEN), lambda i: (0, 0)),
            pl.BlockSpec((BLK, HIDDEN), lambda i: (i, 0)),
        ],
        out_specs=pl.BlockSpec((1, 1, BLK), lambda i: (i, 0, 0)),
        out_shape=jax.ShapeDtypeStruct((NB, 1, BLK), jnp.float32),
    )(z_i, z_j, R, rows)
    return out.reshape(B)

# --- scband reference (transcript-rebuilt; emitter-appended) ---
"""Pipeline reference for scband-polypharmacy-hgt-50895362458309 (READ-ONLY COPY).

The authoritative reference and input builder live on the scoring server;
editing this copy changes nothing except your own understanding.
"""

import jax, jax.numpy as jnp
import numpy as np

B = 16384
HIDDEN = 256
NUM_SE = 963

def setup_inputs(seed: int = 0) -> dict:
    key = jax.random.key(seed)
    k1, k2, k3, k4 = jax.random.split(key, 4)
    z_i = jax.random.normal(k1, (B, HIDDEN), dtype=jnp.float32)
    z_j = jax.random.normal(k2, (B, HIDDEN), dtype=jnp.float32)
    se_indices = jax.random.randint(k3, (B,), 0, NUM_SE)
    # Learned params of DEDICOMDecoder: R = I + 0.01*randn, D = ones
    R = jnp.eye(HIDDEN, dtype=jnp.float32) + 0.01 * jax.random.normal(k4, (HIDDEN, HIDDEN), dtype=jnp.float32)
    D = jnp.ones((NUM_SE, HIDDEN), dtype=jnp.float32)
    return {"z_i": z_i, "z_j": z_j, "R": R, "D": D, "se_indices": se_indices}

def reference(z_i, z_j, R, D, se_indices):
    # DEDICOMDecoder.forward with se_indices provided (eval mode: dropout = identity)
    # score(i, j, r) = sigmoid( sum_k z_i * D_r * (R z_j) * D_r )
    d_r = D[se_indices]                 # [B, HIDDEN] gather over SE types
    Rz_j = z_j @ R.T                    # [B, HIDDEN]
    scores = jnp.sum(z_i * d_r * (Rz_j * d_r), axis=-1)  # [B]
    return jax.nn.sigmoid(scores)

if __name__ == "__main__":
    import jax
    _d = setup_inputs()
    print(jax.jit(kernel)(*tuple(_d.values())))

</pallas_src>

<mosaic_0001>
#map = affine_map<(d0, d1) -> (0, 0)>
#map1 = affine_map<(d0, d1) -> (0)>
module attributes {stable_mosaic.version = 14 : i64} {
  func.func @gk(%arg0: i32, %arg1: i32, %arg2: memref<963x256xf32, #tpu.memory_space<hbm>>, %arg3: memref<16384xi32, #tpu.memory_space<hbm>>, %arg4: memref<16384x256xf32, #tpu.memory_space<hbm>>, %arg5: memref<128xi32, #tpu.memory_space<vmem>>, %arg6: memref<128xi32, #tpu.memory_space<vmem>>, %arg7: memref<128x256xf32, #tpu.memory_space<vmem>>, %arg8: memref<128x256xf32, #tpu.memory_space<vmem>>, %arg9: memref<!tpu.dma_semaphore, #tpu.memory_space<semaphore_mem>>, %arg10: memref<!tpu.dma_semaphore, #tpu.memory_space<semaphore_mem>>, %arg11: memref<!tpu.dma_semaphore, #tpu.memory_space<semaphore_mem>>, %arg12: memref<!tpu.dma_semaphore, #tpu.memory_space<semaphore_mem>>) attributes {dimension_semantics = [#tpu.dimension_semantics<core_parallel>, #tpu.dimension_semantics<subcore_parallel>], iteration_bounds = array<i64: 2, 16>, scalar_prefetch = 0 : i64, scratch_operands = 8 : i64, tpu.core_type = #tpu.core_type<sc_vector_subcore>, window_params = [{transform_indices = #map}, {transform_indices = #map1}, {transform_indices = #map}]} {
    %mul3A = arith.constant 2 : i32
    %mul3A_0 = arith.muli %arg1, %mul3A : i32
    %add3A = arith.addi %mul3A_0, %arg0 : i32
    %mul3A_1 = arith.constant 512 : i32
    %mul3A_2 = arith.muli %add3A, %mul3A_1 : i32
    "tpu.region"() ({
      %run_scoped3A = tpu.sem_alloc : memref<!tpu.dma_semaphore, #tpu.memory_space<semaphore_mem>>
      %dma_start3A_71 = tpu.memref_slice %arg3[%mul3A_2] : memref<16384xi32, #tpu.memory_space<hbm>> -> memref<128xi32, #tpu.memory_space<hbm>>
      %dma_start3A_72 = tpu.memref_slice %arg3[%mul3A_2] : memref<16384xi32, #tpu.memory_space<hbm>> -> memref<128xi32, #tpu.memory_space<hbm>>
      tpu.enqueue_dma source(%dma_start3A_72 : memref<128xi32, #tpu.memory_space<hbm>>) target(%arg5 : memref<128xi32, #tpu.memory_space<vmem>>) target_semaphore(%run_scoped3A : memref<!tpu.dma_semaphore, #tpu.memory_space<semaphore_mem>>)
      %dma_wait3A_73 = tpu.memref_slice %arg3[%mul3A_2] : memref<16384xi32, #tpu.memory_space<hbm>> -> memref<128xi32, #tpu.memory_space<hbm>>
      %dma_wait3A_74 = tpu.memref_slice %arg3[%mul3A_2] : memref<16384xi32, #tpu.memory_space<hbm>> -> memref<128xi32, #tpu.memory_space<hbm>>
      tpu.wait_dma2 semaphore(%run_scoped3A : memref<!tpu.dma_semaphore, #tpu.memory_space<semaphore_mem>>) src(%dma_wait3A_74 : memref<128xi32, #tpu.memory_space<hbm>>) dst(%arg5 : memref<128xi32, #tpu.memory_space<vmem>>)
      tpu.yield
    }) : () -> ()
    %dma_start3A = arith.constant 0 : i32
    %dma_start3A_3 = arith.constant 0 : i32
    %dma_start3A_4 = tpu.memref_slice %arg2[%dma_start3A, %dma_start3A_3] : memref<963x256xf32, #tpu.memory_space<hbm>> -> memref<963x256xf32, #tpu.memory_space<hbm>>
    tpu.enqueue_indirect_dma source(%dma_start3A_4 : memref<963x256xf32, #tpu.memory_space<hbm>>) target(%arg7 : memref<128x256xf32, #tpu.memory_space<vmem>>) offsets(%arg5 : memref<128xi32, #tpu.memory_space<vmem>>) semaphore(%arg9 : memref<!tpu.dma_semaphore, #tpu.memory_space<semaphore_mem>>)
    %add3A_5 = arith.constant 128 : i32
    %add3A_6 = arith.addi %mul3A_2, %add3A_5 : i32
    "tpu.region"() ({
      %run_scoped3A = tpu.sem_alloc : memref<!tpu.dma_semaphore, #tpu.memory_space<semaphore_mem>>
      %dma_start3A_71 = tpu.memref_slice %arg3[%add3A_6] : memref<16384xi32, #tpu.memory_space<hbm>> -> memref<128xi32, #tpu.memory_space<hbm>>
      %dma_start3A_72 = tpu.memref_slice %arg3[%add3A_6] : memref<16384xi32, #tpu.memory_space<hbm>> -> memref<128xi32, #tpu.memory_space<hbm>>
      tpu.enqueue_dma source(%dma_start3A_72 : memref<128xi32, #tpu.memory_space<hbm>>) target(%arg6 : memref<128xi32, #tpu.memory_space<vmem>>) target_semaphore(%run_scoped3A : memref<!tpu.dma_semaphore, #tpu.memory_space<semaphore_mem>>)
      %dma_wait3A_73 = tpu.memref_slice %arg3[%add3A_6] : memref<16384xi32, #tpu.memory_space<hbm>> -> memref<128xi32, #tpu.memory_space<hbm>>
      %dma_wait3A_74 = tpu.memref_slice %arg3[%add3A_6] : memref<16384xi32, #tpu.memory_space<hbm>> -> memref<128xi32, #tpu.memory_space<hbm>>
      tpu.wait_dma2 semaphore(%run_scoped3A : memref<!tpu.dma_semaphore, #tpu.memory_space<semaphore_mem>>) src(%dma_wait3A_74 : memref<128xi32, #tpu.memory_space<hbm>>) dst(%arg6 : memref<128xi32, #tpu.memory_space<vmem>>)
      tpu.yield
    }) : () -> ()
    %dma_start3A_7 = arith.constant 0 : i32
    %dma_start3A_8 = arith.constant 0 : i32
    %dma_start3A_9 = tpu.memref_slice %arg2[%dma_start3A_7, %dma_start3A_8] : memref<963x256xf32, #tpu.memory_space<hbm>> -> memref<963x256xf32, #tpu.memory_space<hbm>>
    tpu.enqueue_indirect_dma source(%dma_start3A_9 : memref<963x256xf32, #tpu.memory_space<hbm>>) target(%arg8 : memref<128x256xf32, #tpu.memory_space<vmem>>) offsets(%arg6 : memref<128xi32, #tpu.memory_space<vmem>>) semaphore(%arg10 : memref<!tpu.dma_semaphore, #tpu.memory_space<semaphore_mem>>)
    %dma_wait3A = arith.constant 0 : i32
    %dma_wait3A_10 = arith.constant 0 : i32
    %dma_wait3A_11 = tpu.memref_slice %arg2[%dma_wait3A, %dma_wait3A_10] : memref<963x256xf32, #tpu.memory_space<hbm>> -> memref<963x256xf32, #tpu.memory_space<hbm>>
    tpu.wait_indirect_dma semaphore(%arg9 : memref<!tpu.dma_semaphore, #tpu.memory_space<semaphore_mem>>) src(%dma_wait3A_11 : memref<963x256xf32, #tpu.memory_space<hbm>>) dst(%arg7 : memref<128x256xf32, #tpu.memory_space<vmem>>)
    %add3A_12 = arith.constant 0 : i32
    %add3A_13 = arith.addi %mul3A_2, %add3A_12 : i32
    %dma_start3A_14 = arith.constant 0 : i32
    %dma_start3A_15 = tpu.memref_slice %arg4[%add3A_13, %dma_start3A_14] : memref<16384x256xf32, #tpu.memory_space<hbm>> -> memref<128x256xf32, #tpu.memory_space<hbm>>
    %dma_start3A_16 = arith.constant 0 : i32
    %dma_start3A_17 = tpu.memref_slice %arg4[%add3A_13, %dma_start3A_16] : memref<16384x256xf32, #tpu.memory_space<hbm>> -> memref<128x256xf32, #tpu.memory_space<hbm>>
    tpu.enqueue_dma source(%arg7 : memref<128x256xf32, #tpu.memory_space<vmem>>) target(%dma_start3A_17 : memref<128x256xf32, #tpu.memory_space<hbm>>) target_semaphore(%arg11 : memref<!tpu.dma_semaphore, #tpu.memory_space<semaphore_mem>>)
    %dma_wait3A_18 = arith.constant 0 : i32
    %dma_wait3A_19 = tpu.memref_slice %arg4[%add3A_13, %dma_wait3A_18] : memref<16384x256xf32, #tpu.memory_space<hbm>> -> memref<128x256xf32, #tpu.memory_space<hbm>>
    %dma_wait3A_20 = arith.constant 0 : i32
    %dma_wait3A_21 = tpu.memref_slice %arg4[%add3A_13, %dma_wait3A_20] : memref<16384x256xf32, #tpu.memory_space<hbm>> -> memref<128x256xf32, #tpu.memory_space<hbm>>
    tpu.wait_dma2 semaphore(%arg11 : memref<!tpu.dma_semaphore, #tpu.memory_space<semaphore_mem>>) src(%arg7 : memref<128x256xf32, #tpu.memory_space<vmem>>) dst(%dma_wait3A_21 : memref<128x256xf32, #tpu.memory_space<hbm>>)
    %add3A_22 = arith.constant 256 : i32
    %add3A_23 = arith.addi %mul3A_2, %add3A_22 : i32
    "tpu.region"() ({
      %run_scoped3A = tpu.sem_alloc : memref<!tpu.dma_semaphore, #tpu.memory_space<semaphore_mem>>
      %dma_start3A_71 = tpu.memref_slice %arg3[%add3A_23] : memref<16384xi32, #tpu.memory_space<hbm>> -> memref<128xi32, #tpu.memory_space<hbm>>
      %dma_start3A_72 = tpu.memref_slice %arg3[%add3A_23] : memref<16384xi32, #tpu.memory_space<hbm>> -> memref<128xi32, #tpu.memory_space<hbm>>
      tpu.enqueue_dma source(%dma_start3A_72 : memref<128xi32, #tpu.memory_space<hbm>>) target(%arg5 : memref<128xi32, #tpu.memory_space<vmem>>) target_semaphore(%run_scoped3A : memref<!tpu.dma_semaphore, #tpu.memory_space<semaphore_mem>>)
      %dma_wait3A_73 = tpu.memref_slice %arg3[%add3A_23] : memref<16384xi32, #tpu.memory_space<hbm>> -> memref<128xi32, #tpu.memory_space<hbm>>
      %dma_wait3A_74 = tpu.memref_slice %arg3[%add3A_23] : memref<16384xi32, #tpu.memory_space<hbm>> -> memref<128xi32, #tpu.memory_space<hbm>>
      tpu.wait_dma2 semaphore(%run_scoped3A : memref<!tpu.dma_semaphore, #tpu.memory_space<semaphore_mem>>) src(%dma_wait3A_74 : memref<128xi32, #tpu.memory_space<hbm>>) dst(%arg5 : memref<128xi32, #tpu.memory_space<vmem>>)
      tpu.yield
    }) : () -> ()
    %dma_start3A_24 = arith.constant 0 : i32
    %dma_start3A_25 = arith.constant 0 : i32
    %dma_start3A_26 = tpu.memref_slice %arg2[%dma_start3A_24, %dma_start3A_25] : memref<963x256xf32, #tpu.memory_space<hbm>> -> memref<963x256xf32, #tpu.memory_space<hbm>>
    tpu.enqueue_indirect_dma source(%dma_start3A_26 : memref<963x256xf32, #tpu.memory_space<hbm>>) target(%arg7 : memref<128x256xf32, #tpu.memory_space<vmem>>) offsets(%arg5 : memref<128xi32, #tpu.memory_space<vmem>>) semaphore(%arg9 : memref<!tpu.dma_semaphore, #tpu.memory_space<semaphore_mem>>)
    %dma_wait3A_27 = arith.constant 0 : i32
    %dma_wait3A_28 = arith.constant 0 : i32
    %dma_wait3A_29 = tpu.memref_slice %arg2[%dma_wait3A_27, %dma_wait3A_28] : memref<963x256xf32, #tpu.memory_space<hbm>> -> memref<963x256xf32, #tpu.memory_space<hbm>>
    tpu.wait_indirect_dma semaphore(%arg10 : memref<!tpu.dma_semaphore, #tpu.memory_space<semaphore_mem>>) src(%dma_wait3A_29 : memref<963x256xf32, #tpu.memory_space<hbm>>) dst(%arg8 : memref<128x256xf32, #tpu.memory_space<vmem>>)
    %add3A_30 = arith.constant 128 : i32
    %add3A_31 = arith.addi %mul3A_2, %add3A_30 : i32
    %dma_start3A_32 = arith.constant 0 : i32
    %dma_start3A_33 = tpu.memref_slice %arg4[%add3A_31, %dma_start3A_32] : memref<16384x256xf32, #tpu.memory_space<hbm>> -> memref<128x256xf32, #tpu.memory_space<hbm>>
    %dma_start3A_34 = arith.constant 0 : i32
    %dma_start3A_35 = tpu.memref_slice %arg4[%add3A_31, %dma_start3A_34] : memref<16384x256xf32, #tpu.memory_space<hbm>> -> memref<128x256xf32, #tpu.memory_space<hbm>>
    tpu.enqueue_dma source(%arg8 : memref<128x256xf32, #tpu.memory_space<vmem>>) target(%dma_start3A_35 : memref<128x256xf32, #tpu.memory_space<hbm>>) target_semaphore(%arg12 : memref<!tpu.dma_semaphore, #tpu.memory_space<semaphore_mem>>)
    %dma_wait3A_36 = arith.constant 0 : i32
    %dma_wait3A_37 = tpu.memref_slice %arg4[%add3A_31, %dma_wait3A_36] : memref<16384x256xf32, #tpu.memory_space<hbm>> -> memref<128x256xf32, #tpu.memory_space<hbm>>
    %dma_wait3A_38 = arith.constant 0 : i32
    %dma_wait3A_39 = tpu.memref_slice %arg4[%add3A_31, %dma_wait3A_38] : memref<16384x256xf32, #tpu.memory_space<hbm>> -> memref<128x256xf32, #tpu.memory_space<hbm>>
    tpu.wait_dma2 semaphore(%arg12 : memref<!tpu.dma_semaphore, #tpu.memory_space<semaphore_mem>>) src(%arg8 : memref<128x256xf32, #tpu.memory_space<vmem>>) dst(%dma_wait3A_39 : memref<128x256xf32, #tpu.memory_space<hbm>>)
    %add3A_40 = arith.constant 384 : i32
    %add3A_41 = arith.addi %mul3A_2, %add3A_40 : i32
    "tpu.region"() ({
      %run_scoped3A = tpu.sem_alloc : memref<!tpu.dma_semaphore, #tpu.memory_space<semaphore_mem>>
      %dma_start3A_71 = tpu.memref_slice %arg3[%add3A_41] : memref<16384xi32, #tpu.memory_space<hbm>> -> memref<128xi32, #tpu.memory_space<hbm>>
      %dma_start3A_72 = tpu.memref_slice %arg3[%add3A_41] : memref<16384xi32, #tpu.memory_space<hbm>> -> memref<128xi32, #tpu.memory_space<hbm>>
      tpu.enqueue_dma source(%dma_start3A_72 : memref<128xi32, #tpu.memory_space<hbm>>) target(%arg6 : memref<128xi32, #tpu.memory_space<vmem>>) target_semaphore(%run_scoped3A : memref<!tpu.dma_semaphore, #tpu.memory_space<semaphore_mem>>)
      %dma_wait3A_73 = tpu.memref_slice %arg3[%add3A_41] : memref<16384xi32, #tpu.memory_space<hbm>> -> memref<128xi32, #tpu.memory_space<hbm>>
      %dma_wait3A_74 = tpu.memref_slice %arg3[%add3A_41] : memref<16384xi32, #tpu.memory_space<hbm>> -> memref<128xi32, #tpu.memory_space<hbm>>
      tpu.wait_dma2 semaphore(%run_scoped3A : memref<!tpu.dma_semaphore, #tpu.memory_space<semaphore_mem>>) src(%dma_wait3A_74 : memref<128xi32, #tpu.memory_space<hbm>>) dst(%arg6 : memref<128xi32, #tpu.memory_space<vmem>>)
      tpu.yield
    }) : () -> ()
    %dma_start3A_42 = arith.constant 0 : i32
    %dma_start3A_43 = arith.constant 0 : i32
    %dma_start3A_44 = tpu.memref_slice %arg2[%dma_start3A_42, %dma_start3A_43] : memref<963x256xf32, #tpu.memory_space<hbm>> -> memref<963x256xf32, #tpu.memory_space<hbm>>
    tpu.enqueue_indirect_dma source(%dma_start3A_44 : memref<963x256xf32, #tpu.memory_space<hbm>>) target(%arg8 : memref<128x256xf32, #tpu.memory_space<vmem>>) offsets(%arg6 : memref<128xi32, #tpu.memory_space<vmem>>) semaphore(%arg10 : memref<!tpu.dma_semaphore, #tpu.memory_space<semaphore_mem>>)
    %dma_wait3A_45 = arith.constant 0 : i32
    %dma_wait3A_46 = arith.constant 0 : i32
    %dma_wait3A_47 = tpu.memref_slice %arg2[%dma_wait3A_45, %dma_wait3A_46] : memref<963x256xf32, #tpu.memory_space<hbm>> -> memref<963x256xf32, #tpu.memory_space<hbm>>
    tpu.wait_indirect_dma semaphore(%arg9 : memref<!tpu.dma_semaphore, #tpu.memory_space<semaphore_mem>>) src(%dma_wait3A_47 : memref<963x256xf32, #tpu.memory_space<hbm>>) dst(%arg7 : memref<128x256xf32, #tpu.memory_space<vmem>>)
    %add3A_48 = arith.constant 256 : i32
    %add3A_49 = arith.addi %mul3A_2, %add3A_48 : i32
    %dma_start3A_50 = arith.constant 0 : i32
    %dma_start3A_51 = tpu.memref_slice %arg4[%add3A_49, %dma_start3A_50] : memref<16384x256xf32, #tpu.memory_space<hbm>> -> memref<128x256xf32, #tpu.memory_space<hbm>>
    %dma_start3A_52 = arith.constant 0 : i32
    %dma_start3A_53 = tpu.memref_slice %arg4[%add3A_49, %dma_start3A_52] : memref<16384x256xf32, #tpu.memory_space<hbm>> -> memref<128x256xf32, #tpu.memory_space<hbm>>
    tpu.enqueue_dma source(%arg7 : memref<128x256xf32, #tpu.memory_space<vmem>>) target(%dma_start3A_53 : memref<128x256xf32, #tpu.memory_space<hbm>>) target_semaphore(%arg11 : memref<!tpu.dma_semaphore, #tpu.memory_space<semaphore_mem>>)
    %dma_wait3A_54 = arith.constant 0 : i32
    %dma_wait3A_55 = arith.constant 0 : i32
    %dma_wait3A_56 = tpu.memref_slice %arg2[%dma_wait3A_54, %dma_wait3A_55] : memref<963x256xf32, #tpu.memory_space<hbm>> -> memref<963x256xf32, #tpu.memory_space<hbm>>
    tpu.wait_indirect_dma semaphore(%arg10 : memref<!tpu.dma_semaphore, #tpu.memory_space<semaphore_mem>>) src(%dma_wait3A_56 : memref<963x256xf32, #tpu.memory_space<hbm>>) dst(%arg8 : memref<128x256xf32, #tpu.memory_space<vmem>>)
    %add3A_57 = arith.constant 384 : i32
    %add3A_58 = arith.addi %mul3A_2, %add3A_57 : i32
    %dma_start3A_59 = arith.constant 0 : i32
    %dma_start3A_60 = tpu.memref_slice %arg4[%add3A_58, %dma_start3A_59] : memref<16384x256xf32, #tpu.memory_space<hbm>> -> memref<128x256xf32, #tpu.memory_space<hbm>>
    %dma_start3A_61 = arith.constant 0 : i32
    %dma_start3A_62 = tpu.memref_slice %arg4[%add3A_58, %dma_start3A_61] : memref<16384x256xf32, #tpu.memory_space<hbm>> -> memref<128x256xf32, #tpu.memory_space<hbm>>
    tpu.enqueue_dma source(%arg8 : memref<128x256xf32, #tpu.memory_space<vmem>>) target(%dma_start3A_62 : memref<128x256xf32, #tpu.memory_space<hbm>>) target_semaphore(%arg12 : memref<!tpu.dma_semaphore, #tpu.memory_space<semaphore_mem>>)
    %dma_wait3A_63 = arith.constant 0 : i32
    %dma_wait3A_64 = tpu.memref_slice %arg4[%add3A_58, %dma_wait3A_63] : memref<16384x256xf32, #tpu.memory_space<hbm>> -> memref<128x256xf32, #tpu.memory_space<hbm>>
    %dma_wait3A_65 = arith.constant 0 : i32
    %dma_wait3A_66 = tpu.memref_slice %arg4[%add3A_58, %dma_wait3A_65] : memref<16384x256xf32, #tpu.memory_space<hbm>> -> memref<128x256xf32, #tpu.memory_space<hbm>>
    tpu.wait_dma2 semaphore(%arg12 : memref<!tpu.dma_semaphore, #tpu.memory_space<semaphore_mem>>) src(%arg8 : memref<128x256xf32, #tpu.memory_space<vmem>>) dst(%dma_wait3A_66 : memref<128x256xf32, #tpu.memory_space<hbm>>)
    %dma_wait3A_67 = arith.constant 0 : i32
    %dma_wait3A_68 = tpu.memref_slice %arg4[%add3A_49, %dma_wait3A_67] : memref<16384x256xf32, #tpu.memory_space<hbm>> -> memref<128x256xf32, #tpu.memory_space<hbm>>
    %dma_wait3A_69 = arith.constant 0 : i32
    %dma_wait3A_70 = tpu.memref_slice %arg4[%add3A_49, %dma_wait3A_69] : memref<16384x256xf32, #tpu.memory_space<hbm>> -> memref<128x256xf32, #tpu.memory_space<hbm>>
    tpu.wait_dma2 semaphore(%arg11 : memref<!tpu.dma_semaphore, #tpu.memory_space<semaphore_mem>>) src(%arg7 : memref<128x256xf32, #tpu.memory_space<vmem>>) dst(%dma_wait3A_70 : memref<128x256xf32, #tpu.memory_space<hbm>>)
    return
  }
}

module attributes {stable_mosaic.version = 14 : i64} {
  func.func @_tc_body(%arg0: i32, %arg1: memref<4096x256xf32, #tpu.memory_space<vmem>>, %arg2: memref<4096x256xf32, #tpu.memory_space<vmem>>, %arg3: memref<256x256xf32, #tpu.memory_space<vmem>>, %arg4: memref<4096x256xf32, #tpu.memory_space<vmem>>, %arg5: memref<1x1x4096xf32, #tpu.memory_space<vmem>>) attributes {dimension_semantics = [#tpu.dimension_semantics<arbitrary>], iteration_bounds = array<i64: 4>, scalar_prefetch = 0 : i64, scratch_operands = 0 : i64, tpu.core_type = #tpu.core_type<tc>, window_params = [{transform_indices = @transform_0, window_bounds = array<i64: 4096, 256>}, {transform_indices = @transform_1, window_bounds = array<i64: 4096, 256>}, {pipeline_mode = #tpu.pipeline_mode<synchronous>, transform_indices = @transform_2, window_bounds = array<i64: 256, 256>}, {transform_indices = @transform_3, window_bounds = array<i64: 4096, 256>}, {transform_indices = @transform_4, window_bounds = array<i64: 1, 1, 4096>}]} {
    %get3A = arith.constant 0 : index
    %get3A_0 = arith.constant 0 : index
    %get3A_1 = vector.load %arg4[%get3A, %get3A_0] : memref<4096x256xf32, #tpu.memory_space<vmem>>, vector<4096x256xf32>
    %mul3A = arith.mulf %get3A_1, %get3A_1 : vector<4096x256xf32>
    %get3A_2 = arith.constant 0 : index
    %get3A_3 = arith.constant 0 : index
    %get3A_4 = vector.load %arg2[%get3A_2, %get3A_3] : memref<4096x256xf32, #tpu.memory_space<vmem>>, vector<4096x256xf32>
    %get3A_5 = arith.constant 0 : index
    %get3A_6 = arith.constant 0 : index
    %get3A_7 = vector.load %arg3[%get3A_5, %get3A_6] : memref<256x256xf32, #tpu.memory_space<vmem>>, vector<256x256xf32>
    %dot_general3A = arith.constant dense<0.000000e+00> : vector<4096x256xf32>
    %dot_general3A_8 = tpu.matmul %get3A_4, %get3A_7, %dot_general3A {dimension_numbers = #tpu.dot_dimension_numbers<[1], [1], [0], [0], [0, 0, 1, 0], [], []>, transpose_lhs_hint = false} : vector<4096x256xf32>, vector<256x256xf32>, vector<4096x256xf32> -> vector<4096x256xf32>
    %get3A_9 = arith.constant 0 : index
    %get3A_10 = arith.constant 0 : index
    %get3A_11 = vector.load %arg1[%get3A_9, %get3A_10] : memref<4096x256xf32, #tpu.memory_space<vmem>>, vector<4096x256xf32>
    %mul3A_12 = arith.mulf %get3A_11, %dot_general3A_8 : vector<4096x256xf32>
    %mul3A_13 = arith.mulf %mul3A_12, %mul3A : vector<4096x256xf32>
    %broadcast_in_dim3A = arith.constant 1.000000e+00 : f32
    %broadcast_in_dim3A_14 = vector.broadcast %broadcast_in_dim3A : f32 to vector<8x256xf32>
    %dot_general3A_15 = arith.constant dense<0.000000e+00> : vector<8x4096xf32>
    %dot_general3A_16 = tpu.matmul %broadcast_in_dim3A_14, %mul3A_13, %dot_general3A_15 {dimension_numbers = #tpu.dot_dimension_numbers<[1], [1], [0], [0], [0, 0, 1, 0], [], []>, transpose_lhs_hint = false} : vector<8x256xf32>, vector<4096x256xf32>, vector<8x4096xf32> -> vector<8x4096xf32>
    %slice3A = vector.extract_strided_slice %dot_general3A_16 {offsets = [0, 0], sizes = [1, 4096], strides = [1, 1]} : vector<8x4096xf32> to vector<1x4096xf32>
    %squeeze3A = vector.shape_cast %slice3A : vector<1x4096xf32> to vector<4096xf32>
    %logistic3A = arith.negf %squeeze3A : vector<4096xf32>
    %logistic3A_17 = math.exp %logistic3A : vector<4096xf32>
    %logistic3A_18 = arith.constant 1.000000e+00 : f32
    %logistic3A_19 = vector.broadcast %logistic3A_18 : f32 to vector<4096xf32>
    %logistic3A_20 = arith.addf %logistic3A_19, %logistic3A_17 : vector<4096xf32>
    %logistic3A_21 = arith.divf %logistic3A_19, %logistic3A_20 : vector<4096xf32>
    %swap3A = arith.constant 0 : index
    %swap3A_22 = arith.constant 0 : index
    %swap3A_23 = arith.constant 0 : index
    %swap3A_24 = vector.load %arg5[%swap3A, %swap3A_22, %swap3A_23] : memref<1x1x4096xf32, #tpu.memory_space<vmem>>, vector<1x1x4096xf32>
    %swap3A_25 = vector.shape_cast %swap3A_24 : vector<1x1x4096xf32> to vector<4096xf32>
    %swap3A_26 = vector.shape_cast %logistic3A_21 : vector<4096xf32> to vector<1x1x4096xf32>
    tpu.vector_store %arg5[%swap3A, %swap3A_22, %swap3A_23], %swap3A_26 {strides = array<i32>} : memref<1x1x4096xf32, #tpu.memory_space<vmem>>, vector<1x1x4096xf32>,
    return
  }
  func.func @transform_0(%arg0: i32) -> (i32, i32) {
    %c0_i32 = arith.constant 0 : i32
    %c0_i32_0 = arith.constant 0 : i32
    return %arg0, %c0_i32 : i32, i32
  }
  func.func @transform_1(%arg0: i32) -> (i32, i32) {
    %c0_i32 = arith.constant 0 : i32
    %c0_i32_0 = arith.constant 0 : i32
    return %arg0, %c0_i32 : i32, i32
  }
  func.func @transform_2(%arg0: i32) -> (i32, i32) {
    %c0_i32 = arith.constant 0 : i32
    %c0_i32_0 = arith.constant 0 : i32
    %c0_i32_1 = arith.constant 0 : i32
    return %c0_i32, %c0_i32_0 : i32, i32
  }
  func.func @transform_3(%arg0: i32) -> (i32, i32) {
    %c0_i32 = arith.constant 0 : i32
    %c0_i32_0 = arith.constant 0 : i32
    return %arg0, %c0_i32 : i32, i32
  }
  func.func @transform_4(%arg0: i32) -> (i32, i32, i32) {
    %c0_i32 = arith.constant 0 : i32
    %c0_i32_0 = arith.constant 0 : i32
    %c0_i32_1 = arith.constant 0 : i32
    return %arg0, %c0_i32, %c0_i32_0 : i32, i32, i32
  }
}

</mosaic_0001>

<sc_bundles>
// kernel: kernel.4.cloned.1.call-start
scs
__scs_entry_jumppad:
0x0: {  	(pc) =	sbr.rel $0x88, $3  }
0x1: {  	(tag) =	ssettag $0x0;
	lr =	simm.s32 $0x1  }
0x2: {  	[smem:$0x3F9C] =	sst lr;
	_ =	strace $0xD0000000  }
0x3: {  	_ = 	snop  }
0x4: {  	_ = 	snop  }
0x5: {  	_ = 	snop  }
0x6: {  	_ = 	snop  }
0x7: {  	_ = 	snop  }
__scs_overlays_trampoline_lowered:
0x8: {  	[smem:$0x3FAB] =	sst s0  }
0x9: {  	[smem:$0x3FAC] =	sst s1  }
0xa: {  	[smem:$0x3FAD] =	sst s2  }
0xb: {  	[smem:$0x3FAE] =	sst s3  }
0xc: {  	[smem:$0x3FAF] =	sst s4  }
0xd: {  	[smem:$0x3FB0] =	sst s5  }
0xe: {  	[smem:$0x3FB1] =	sst s6  }
0xf: {  	[smem:$0x3FB2] =	sst s7  }
0x10: {  	[smem:$0x3FB3] =	sst s8  }
0x11: {  	[smem:$0x3FB4] =	sst s9;
	s0 =	simm.s32 @!p0 $0x0  }
0x12: {  	s1 =	sld [smem:$0x3F9A];
	s0 =	simm.s32 @p0 $0x1  }
0x13: {  	[smem:$0x3FB5] =	sst s0;
	s0 =	simm.s32 @!p1 $0x0  }
0x14: {  	s2 =	sld [smem:$0x3F99];
	s0 =	simm.s32 @p1 $0x1  }
0x15: {  	[smem:$0x3FB6] =	sst s0;
	s0 =	simm.s32 @!p2 $0x0  }
0x16: {  	s3 =	sld [smem:$0x3FDB];
	s0 =	simm.s32 @p2 $0x1  }
0x17: {  	s4 =	simm.s32 $0x1BF5;
	[smem:$0x3FB8] =	sst s0  }
0x18: {  	s0 =	sld [smem:$0x3F9B];
	_ =	swait.ge [sflag:s4], $0x0  }
0x19: {  	s7 =	sld [smem:$0x3F9C]  }
0x1a: {  	s8 =	sadd.s32 $0xFFFFE003, lr  }
0x1b: {  	s9 =	sadd.s32 $0xFFFFFEF7, lr;
	s5 =	simm.s32 $0xFFFFFFFF;
	p2 =	slt.u32 s8, $0xFFFFF086  }
0x1c: {  	p1 =	slt.u32 s9, $0xF7A;
	s5 =	simm.s32 @!p2 $0x0  }
0x1d: {  	s5 =	simm.s32 @p1 $0x1;
	p0 =	seq.s32 s7, s2  }
0x1e: {  	s7 =	smul.u32 @!p0 $0xF7A, s2;
	p2 =	seq.s32 @!p0 s5, $0x0  }
0x1f: {  	s9 =	smul.u32 $0xF7A, s1;
	s8 =	simm.s32 @!p0 $0x1BF5;
	p2 =	por !p2, p0  }
0x20: {  	[sflag:s8] =	ssyncset.s32 @!p0 $0xFFFFF086;
	s6 =	sadd.s32 @!p0 s3, s7;
	s7 =	simm.s32 @!p0 $0x108  }
0x21: {  	s3 =	sadd.s32 s3, s9;
	s6 =	sadd.s32 @!p0 $0x88, s6;
	s7 =	simm.s32 @p2 $0x1082  }
0x22: {  	[simem:s7], [sflag:s8] =	dma.local @!p0 [hbm:s6], $0xF7A  }
0x23: {  	s9 =	sor.u32 $0xD0000000, s2;
	s6 =	simm.s32 $0x108;
	_ =	swait.ge @!p0 [sflag:s8], $0x0  }
0x24: {  	s3 =	sadd.s32 $0x88, s3;
	s6 =	simm.s32 @!p1 $0x1082;
	[sflag:s4] =	ssyncset.s32 $0xFFFFF086  }
0x25: {  	[simem:s6], [sflag:s4] =	dma.local [hbm:s3], $0xF7A  }
0x26: {  	[smem:$0x3F9C] =	sst s1;
	(tag) =	ssettag s2;
	_ =	strace s9  }
0x27: {  	s1 =	sld [smem:$0x3FAC]  }
0x28: {  	s2 =	sld [smem:$0x3FAD]  }
0x29: {  	s4 =	sld [smem:$0x3FAF]  }
0x2a: {  	p0 =	seq.s32 s5, $0x0;
	s5 =	sld [smem:$0x3FB0]  }
0x2b: {  	s6 =	sld [smem:$0x3FB1]  }
0x2c: {  	s7 =	sld [smem:$0x3FB2]  }
0x2d: {  	s3 =	simm.s32 $0x108;
	s8 =	sld [smem:$0x3FB3]  }
0x2e: {  	s3 =	simm.s32 @!p0 $0x1082;
	s9 =	sld [smem:$0x3FB4]  }
0x2f: {  	lr =	sadd.s32 s0, s3;
	s0 =	sld [smem:$0x3FAB]  }
0x30: {  	s3 =	sld [smem:$0x3FAE]  }
0x31: {  	[smem:$0x3FB7] =	sst s10  }
0x32: {  	s10 =	sld [smem:$0x3FB5];
	_ =	sdelay $0x3  }
0x33: {  	p0 =	seq.s32 s10, $0x1;
	s10 =	sld [smem:$0x3FB7];
	_ =	sdelay $0x3  }
0x34: {  	[smem:$0x3FB7] =	sst s10  }
0x35: {  	s10 =	sld [smem:$0x3FB6];
	_ =	sdelay $0x3  }
0x36: {  	p1 =	seq.s32 s10, $0x1;
	s10 =	sld [smem:$0x3FB7];
	_ =	sdelay $0x3  }
0x37: {  	[smem:$0x3FB7] =	sst s10  }
0x38: {  	s10 =	sld [smem:$0x3FB8]  }
0x39: {  	_ = 	snop;
	(pc) =	sbr.ind lr, $3  }
0x3a: {  	_ = 	snop  }
0x3b: {  	_ = 	snop  }
0x3c: {  	p2 =	seq.s32 s10, $0x1;
	s10 =	sld [smem:$0x3FB7]  }
0x3d: {  	_ =	shalt  }
0x3e: {  	_ =	shalt  }
0x3f: {  	_ =	shalt  }
0x40: {  	_ =	shalt  }
0x41: {  	_ =	shalt  }
0x42: {  	_ =	shalt  }
0x43: {  	_ =	shalt  }
0x44: {  	_ =	shalt  }
0x45: {  	_ =	shalt  }
0x46: {  	_ =	shalt  }
0x47: {  	_ =	shalt  }
0x48: {  	_ =	shalt  }
0x49: {  	_ =	shalt  }
0x4a: {  	_ =	shalt  }
0x4b: {  	_ =	shalt  }
0x4c: {  	_ =	shalt  }
0x4d: {  	_ =	shalt  }
0x4e: {  	_ =	shalt  }
0x4f: {  	_ =	shalt  }
0x50: {  	_ =	shalt  }
0x51: {  	_ =	shalt  }
0x52: {  	_ =	shalt  }
0x53: {  	_ =	shalt  }
0x54: {  	_ =	shalt  }
0x55: {  	_ =	shalt  }
0x56: {  	_ =	shalt  }
0x57: {  	_ =	shalt  }
0x58: {  	_ =	shalt  }
0x59: {  	_ =	shalt  }
0x5a: {  	_ =	shalt  }
0x5b: {  	_ =	shalt  }
0x5c: {  	_ =	shalt  }
0x5d: {  	_ =	shalt  }
0x5e: {  	_ =	shalt  }
0x5f: {  	_ =	shalt  }
0x60: {  	_ =	shalt  }
0x61: {  	_ =	shalt  }
0x62: {  	_ =	shalt  }
0x63: {  	_ =	shalt  }
0x64: {  	_ =	shalt  }
0x65: {  	_ =	shalt  }
0x66: {  	_ =	shalt  }
0x67: {  	_ =	shalt  }
0x68: {  	_ =	shalt  }
0x69: {  	_ =	shalt  }
0x6a: {  	_ =	shalt  }
0x6b: {  	_ =	shalt  }
0x6c: {  	_ =	shalt  }
0x6d: {  	_ =	shalt  }
0x6e: {  	_ =	shalt  }
0x6f: {  	_ =	shalt  }
0x70: {  	_ =	shalt  }
0x71: {  	_ =	shalt  }
0x72: {  	_ =	shalt  }
0x73: {  	_ =	shalt  }
0x74: {  	_ =	shalt  }
0x75: {  	_ =	shalt  }
0x76: {  	_ =	shalt  }
0x77: {  	_ =	shalt  }
0x78: {  	_ =	shalt  }
0x79: {  	_ =	shalt  }
0x7a: {  	_ =	shalt  }
0x7b: {  	_ =	shalt  }
0x7c: {  	_ =	shalt  }
0x7d: {  	_ =	shalt  }
0x7e: {  	_ =	shalt  }
0x7f: {  	_ =	shalt  }
0x80: {  	_ =	shalt  }
0x81: {  	_ =	shalt  }
0x82: {  	_ =	shalt  }
0x83: {  	_ =	shalt  }
0x84: {  	_ =	shalt  }
0x85: {  	_ =	shalt  }
0x86: {  	_ =	shalt  }
0x87: {  	_ =	shalt  }
.Lfunc_end0:
.L_simem_size_0:
called_computation_lowered:
.L_overlay_start_0:
0x88: {  	s2 =	sld [smem:$0x3FD9]  }
0x89: {  	s3 =	sld [smem:$0x3FFE];
	_ =	sdelay $0x1  }
0x8a: {  	s1 =	srdreg.scid  }
0x8b: {  	s0 =	sand.u32 $0x1, s1  }
0x8c: {  	s17 =	sshll.u32 s0, $0xA;
	s2 =	sadd.s32 s3, s2  }
0x8d: {  	s2 =	sadd.s32 s2, s17  }
0x8e: {  	[smem:$0x3FC3] =	sst s2  }
0x8f: {  	_ = 	snop  }
0x90: {  	s2 =	sld [smem:$0x3FC6]  }
0x91: {  	s18 =	sld [smem:$0x3FC5];
	(tm) =	ssettm $0x1  }
0x92: {  	s4 =	sld [smem:$0x3FFB];
	_ =	sdelay $0x3  }
0x93: {  	_ =	strace s4  }
0x94: {  	s4 =	sld [smem:$0x3FFC];
	_ =	sdelay $0x3  }
0x95: {  	_ =	strace s4  }
0x96: {  	s4 =	sld [smem:$0x3FFD];
	_ =	sdelay $0x3  }
0x97: {  	_ =	strace s4  }
0x98: {  	_ =	strace $0x8FFFFFFF  }
0x99: {  	s19 =	sld [smem:$0x3FDB];
	_ =	sdelay $0x1  }
0x9a: {  	s5 =	simm.s32 $_scs_section_size  }
0x9b: {  	s6 =	simm.s32 $_size__tile_overlayer_lowered;
	s7 =	simm.s32 $_tile_overlayer_lowered  }
0x9c: {  	s22 =	simm.s32 $0x1BFF;
	s21 =	sshll.u32 s7, $0x1;
	s4 =	sadd.s32 s5, s19  }
0x9d: {  	s8 =	simm.s32 $0x0;
	s20 =	sshll.u32 s6, $0x1;
	s6 =	sadd.s32 s21, s4  }
0x9e: {  	[timem:s8], [sflag:s22] =	dma.local [hbm:s6], s20  }
0x9f: {  	_ =	swait.ge [sflag:s22], s20  }
0xa0: {  	s5 =	ssub.s32 $0x0, s20;
	[sflag:s22] =	ssyncset.done $0x0  }
0xa1: {  	[sflag:s22] =	ssyncadd.s32 s5;
	_ =	sdelay $0x1  }
0xa2: {  	s23 =	simm.s32 $0x1B8B  }
0xa3: {  	_ =	swait.ge [sflag:s23], $0x1  }
0xa4: {  	[sflag:s23] =	ssyncset.done $0x0  }
0xa5: {  	s25 =	simm.s32 $0x1B8E;
	s24 =	sld [smem:$0x3FFE];
	[sflag:s23] =	ssyncadd.s32 $0xFFFFFFFF  }
0xa6: {  	s26 =	simm.s32 $execute0_lowered;
	[smem:$0x3FD2] =	sst s25  }
0xa7: {  	s6 =	sshll.u32 s26, $0x1;
	_ =	strace $0x80000046;
	[dreg:$0x1] =	wrdreg $0xFFFFFFFF  }
0xa8: {  	s28 =	simm.s32 $_size_execute0_lowered;
	s4 =	sadd.s32 s4, s6;
	[dreg:$0x0] =	wrdreg $0x0  }
0xa9: {  	s6 =	sshll.u32 s28, $0x1;
	[dreg:$0x2] =	wrdreg s4  }
0xaa: {  	[dreg:$0x3] =	wrdreg s6  }
0xab: {  	[dreg:$0x4] =	wrdreg $0xC0  }
0xac: {  	_ =	task [dreg:s8], $0x5FFFF  }
0xad: {  	[dreg:$0x1] =	wrdreg $0xFFFFFFFF  }
0xae: {  	[dreg:$0x0] =	wrdreg $0x60  }
0xaf: {  	[dreg:$0x2] =	wrdreg s2  }
0xb0: {  	[dreg:$0x3] =	wrdreg s18  }
0xb1: {  	[dreg:$0x4] =	wrdreg s24  }
0xb2: {  	[dreg:$0x5] =	wrdreg $0x9  }
0xb3: {  	_ =	task.clear_ibuf [dreg:s8], $0x6FFFF;
	_ =	strace $0x90000046  }
0xb4: {  	s29 =	simm.s32 $0x9;
	_ =	strace $0x80000048  }
0xb5: {  	_ =	swait.ge [sflag:s29], $0x1  }
0xb6: {  	[sflag:s29] =	ssyncadd.s32 $0xFFFFFFFF  }
0xb7: {  	_ =	strace $0x90000048  }
0xb8: {  	_ =	sfence  }
0xb9: {  	s30 =	sld [smem:$0x0];
	_ =	sdelay $0x2  }
0xba: {  	s31 =	sshll.u32 s1, $0xD;
	s1 =	sshrl.u32 s1, $0x2  }
0xbb: {  	s3 =	sand.u32 $0x4000, s31;
	s1 =	sadd.s32 s1, s30  }
0xbc: {  	s0 =	sor.u32 s3, s0;
	s1 =	sshll.u32 s1, $0x11  }
0xbd: {  	s0 =	sor.u32 s1, s0  }
0xbe: {  	s0 =	sadd.s32 $0x8F2B, s0  }
0xbf: {  	[sflag:s0] =	ssyncadd.remote.s32 $0x1  }
0xc0: {  	_ =	sfence.sel $0xFFFF  }
0xc1: {  	[dreg:$0x0] =	wrdreg $0xFFFFFFFF;
	(pc) =	sbr.abs _section_cstart, $3  }
0xc2: {  	[dreg:$0x1] =	wrdreg $0xFFFFFFFF  }
0xc3: {  	_ =	task.clear_ibuf [dreg:s8], $0x2FFFF;
	_ =	strace $0x9FFFFFFF  }
0xc4: {  	(tm) =	ssettm $0x7FFFFFFF  }
0xc5: {  	_ =	shalt  }
tec
execute0_lowered:
.L_overlay_start_1:
0x0: {  	(tag) =	ssettag $0x1  }
0x1: {  	s1 =	rddreg [dreg:$0x0]  }
0x2: {  	s0 =	rddreg [dreg:$0x1]  }
0x3: {  	s2 =	rddreg [dreg:$0x2]  }
0x4: {  	s3 =	srdreg.scid;
	s5 =	stileid.u32  }
0x5: {  	s14 =	simm.s32 $0x3;
	s28 =	simm.s32 $0x4900;
	s29 =	simm.s32 $0x5100  }
0x6: {  	s30 =	simm.s32 $0x5900;
	s31 =	simm.s32 $0x6100;
	s9 =	simm.s32 $0x8900  }
0x7: {  	s10 =	simm.s32 $0x9100;
	s11 =	simm.s32 $0x9900;
	s12 =	simm.s32 $0xA100  }
0x8: {  	s4 =	sand.u32 $0x1, s3;
	s3 =	simm.s32 $0x0;
	s5 =	sshll.u32 s5, $0xA  }
0x9: {  	s2 =	sadd.s32 $0x800, s2;
	s6 =	sshll.u32 s4, $0x9;
	[smem:$0x7FF] =	sst s3  }
0xa: {  	s4 =	ssub.s32 $0x2, s4;
	s5 =	sor.u32 s6, s5;
	_ =	strace $0x80000047  }
0xb: {  	s24 =	sshrl.u32 s4, $0x1;
	s6 =	sshrl.u32 s5, $0x3;
	s7 =	sor.u32 $0x80, s5  }
0xc: {  	s16 =	sshll.u32 s5, $0x5;
	s18 =	sor.u32 $0x100, s5;
	s5 =	sor.u32 $0x180, s5  }
0xd: {  	s26 =	ssub.s32 s4, s24;
	s24 =	simm.s32 $0x3100;
	s6 =	sadd.s32 s0, s6  }
0xe: {  	s8 =	sshrl.u32 s7, $0x3;
	s17 =	sadd.s32 s2, s16;
	s19 =	sshrl.u32 s18, $0x3  }
0xf: {  	s7 =	sshll.u32 s7, $0x5;
	s21 =	sshrl.u32 s5, $0x3;
	s22 =	sshll.u32 s18, $0x5  }
0x10: {  	s5 =	sshll.u32 s5, $0x5;
	s4 =	smax.u32 s26, $0x1;
	s16 =	simm.s32 $0x4  }
0x11: {  	s18 =	simm.s32 $0x900;
	s26 =	simm.s32 $0x4100;
	[dreg:$0x4] =	wrdreg s6  }
0x12: {  	s15 =	sadd.s32 s0, s8;
	[dreg:$0x6] =	wrdreg s17;
	s6 =	sadd.s32 s0, s19  }
0x13: {  	s20 =	sadd.s32 s2, s7;
	s0 =	sadd.s32 s0, s21;
	[dreg:$0x5] =	wrdreg s15  }
0x14: {  	s23 =	sadd.s32 s2, s22;
	s25 =	sadd.s32 s2, s5;
	[dreg:$0x7] =	wrdreg s6  }
0x15: {  	s5 =	simm.s32 $0x5;
	s8 =	simm.s32 $0x1;
	[dreg:$0x8] =	wrdreg s20  }
0x16: {  	s19 =	simm.s32 $0x1100;
	s21 =	simm.s32 $0x2100;
	[dreg:$0x9] =	wrdreg s0  }
0x17: {  	v2 =	vlaneseq.u32;
	s22 =	simm.s32 $0x2900;
	s7 =	simm.s32 $0x7900;
	[dreg:$0xa] =	wrdreg s23  }
0x18: {  	vm0 =	vmmov $0xffff;
	v1 =	vshrl.u32 v2, $0x3;
	[dreg:$0xb] =	wrdreg s25;
	s15 =	simm.s32 $0x2;
	s20 =	simm.s32 $0x1900  }
0x19: {  	v0 =	vand.u32 $0x7, v2;
	v2 =	vor.u32 $0x8, v2;
	v1 =	vmul.u32 $0x8, v1;
	s25 =	simm.s32 $0x3900;
	s6 =	simm.s32 $0x6900;
	s23 =	simm.s32 $0xA900  }
.LBB2_1:
0x1a: {  	s17 =	rddreg [dreg:$0x4]  }
0x1b: {  	[tilespmem:s3], [sflag:$0x5] =	stream.linear.gather [hbm4b:s17+s3], $0x80, $0x38;
	[tilespmem:$0x10100] =	vst v63  }
0x1c: {  	_ =	swait.ge [sflag:s5], $0x80  }
0x1d: {  	[sflag:s5] =	ssyncset.done $0x0  }
0x1e: {  	[sflag:s5] =	ssyncadd.s32 $0xFFFFFF80  }
0x1f: {  	v3 =	vld [tilespmem:$0x0];
	_ =	sdelay $0x4  }
0x20: {  	v4 =	vshll.u32 v3, $0x1  }
0x21: {  	v3 =	vand.u32 $0x7, v3;
	v4 =	vand.u32 $0xFFFFFFF0, v4  }
0x22: {  	v3 =	vor.u32 v3, v4  }
0x23: {  	v4 =	vperm.xlane v3, v0;
	_ =	sdelay $0x1  }
0x24: {  	v3 =	vperm.xlane v3, v2;
	v4 =	vadd.s32 v1, v4;
	_ =	sdelay $0x1  }
0x25: {  	v3 =	vadd.s32 v1, v3;
	_ =	sdelay $0x1  }
0x26: {  	s0 =	simm.s32 $0x100  }
0x27: {  	[tilespmem:s0], [sflag:$0x1] =	stream.indirect_vreg.gather [hbm4b:s1+s3], $0x80, v4, vm0, $0xb8;
	[tilespmem:$0x10100] =	vst v63  }
0x28: {  	_ = 	snop  }
0x29: {  	[tilespmem:s18], [sflag:$0x1] =	stream.indirect_vreg.gather [hbm4b:s1+s3], $0x80, v3, vm0, $0xb8;
	[tilespmem:$0x10100] =	vst v63  }
0x2a: {  	v3 =	vld [tilespmem:$0x10];
	_ =	sdelay $0x4  }
0x2b: {  	v33 =	vshll.u32 v3, $0x1  }
0x2c: {  	v3 =	vand.u32 $0x7, v3;
	v4 =	vand.u32 $0xFFFFFFF0, v33  }
0x2d: {  	v3 =	vor.u32 v3, v4  }
0x2e: {  	v4 =	vperm.xlane v3, v0;
	_ =	sdelay $0x1  }
0x2f: {  	v3 =	vperm.xlane v3, v2;
	v4 =	vadd.s32 v1, v4;
	_ =	sdelay $0x1  }
0x30: {  	v3 =	vadd.s32 v1, v3;
	_ =	sdelay $0x2  }
0x31: {  	[tilespmem:s19], [sflag:$0x1] =	stream.indirect_vreg.gather [hbm4b:s1+s3], $0x80, v4, vm0, $0xb8;
	[tilespmem:$0x10100] =	vst v63  }
0x32: {  	_ = 	snop  }
0x33: {  	[tilespmem:s20], [sflag:$0x1] =	stream.indirect_vreg.gather [hbm4b:s1+s3], $0x80, v3, vm0, $0xb8;
	[tilespmem:$0x10100] =	vst v63  }
0x34: {  	v3 =	vld [tilespmem:$0x20];
	_ =	sdelay $0x4  }
0x35: {  	v34 =	vshll.u32 v3, $0x1  }
0x36: {  	v3 =	vand.u32 $0x7, v3;
	v4 =	vand.u32 $0xFFFFFFF0, v34  }
0x37: {  	v3 =	vor.u32 v3, v4  }
0x38: {  	v4 =	vperm.xlane v3, v0;
	_ =	sdelay $0x1  }
0x39: {  	v3 =	vperm.xlane v3, v2;
	v4 =	vadd.s32 v1, v4;
	_ =	sdelay $0x1  }
0x3a: {  	v3 =	vadd.s32 v1, v3;
	_ =	sdelay $0x2  }
0x3b: {  	[tilespmem:s21], [sflag:$0x1] =	stream.indirect_vreg.gather [hbm4b:s1+s3], $0x80, v4, vm0, $0xb8;
	[tilespmem:$0x10100] =	vst v63  }
0x3c: {  	_ = 	snop  }
0x3d: {  	[tilespmem:s22], [sflag:$0x1] =	stream.indirect_vreg.gather [hbm4b:s1+s3], $0x80, v3, vm0, $0xb8;
	[tilespmem:$0x10100] =	vst v63  }
0x3e: {  	v3 =	vld [tilespmem:$0x30];
	_ =	sdelay $0x4  }
0x3f: {  	v35 =	vshll.u32 v3, $0x1  }
0x40: {  	v3 =	vand.u32 $0x7, v3;
	v4 =	vand.u32 $0xFFFFFFF0, v35  }
0x41: {  	v3 =	vor.u32 v3, v4  }
0x42: {  	v4 =	vperm.xlane v3, v0;
	_ =	sdelay $0x1  }
0x43: {  	v3 =	vperm.xlane v3, v2;
	v4 =	vadd.s32 v1, v4;
	_ =	sdelay $0x1  }
0x44: {  	v3 =	vadd.s32 v1, v3;
	_ =	sdelay $0x2  }
0x45: {  	[tilespmem:s24], [sflag:$0x1] =	stream.indirect_vreg.gather [hbm4b:s1+s3], $0x80, v4, vm0, $0xb8;
	[tilespmem:$0x10100] =	vst v63  }
0x46: {  	_ = 	snop  }
0x47: {  	[tilespmem:s25], [sflag:$0x1] =	stream.indirect_vreg.gather [hbm4b:s1+s3], $0x80, v3, vm0, $0xb8;
	[tilespmem:$0x10100] =	vst v63  }
0x48: {  	v3 =	vld [tilespmem:$0x40];
	_ =	sdelay $0x4  }
0x49: {  	v36 =	vshll.u32 v3, $0x1  }
0x4a: {  	v3 =	vand.u32 $0x7, v3;
	v4 =	vand.u32 $0xFFFFFFF0, v36  }
0x4b: {  	v3 =	vor.u32 v3, v4  }
0x4c: {  	v4 =	vperm.xlane v3, v0;
	_ =	sdelay $0x1  }
0x4d: {  	v3 =	vperm.xlane v3, v2;
	v4 =	vadd.s32 v1, v4;
	_ =	sdelay $0x1  }
0x4e: {  	v3 =	vadd.s32 v1, v3;
	_ =	sdelay $0x2  }
0x4f: {  	[tilespmem:s26], [sflag:$0x1] =	stream.indirect_vreg.gather [hbm4b:s1+s3], $0x80, v4, vm0, $0xb8;
	[tilespmem:$0x10100] =	vst v63  }
0x50: {  	_ = 	snop  }
0x51: {  	[tilespmem:s28], [sflag:$0x1] =	stream.indirect_vreg.gather [hbm4b:s1+s3], $0x80, v3, vm0, $0xb8;
	[tilespmem:$0x10100] =	vst v63  }
0x52: {  	v3 =	vld [tilespmem:$0x50];
	_ =	sdelay $0x4  }
0x53: {  	v37 =	vshll.u32 v3, $0x1  }
0x54: {  	v3 =	vand.u32 $0x7, v3;
	v4 =	vand.u32 $0xFFFFFFF0, v37  }
0x55: {  	v3 =	vor.u32 v3, v4  }
0x56: {  	v4 =	vperm.xlane v3, v0;
	_ =	sdelay $0x1  }
0x57: {  	v3 =	vperm.xlane v3, v2;
	v4 =	vadd.s32 v1, v4;
	_ =	sdelay $0x1  }
0x58: {  	v3 =	vadd.s32 v1, v3;
	_ =	sdelay $0x2  }
0x59: {  	[tilespmem:s29], [sflag:$0x1] =	stream.indirect_vreg.gather [hbm4b:s1+s3], $0x80, v4, vm0, $0xb8;
	[tilespmem:$0x10100] =	vst v63  }
0x5a: {  	_ = 	snop  }
0x5b: {  	[tilespmem:s30], [sflag:$0x1] =	stream.indirect_vreg.gather [hbm4b:s1+s3], $0x80, v3, vm0, $0xb8;
	[tilespmem:$0x10100] =	vst v63  }
0x5c: {  	v3 =	vld [tilespmem:$0x60];
	_ =	sdelay $0x4  }
0x5d: {  	v38 =	vshll.u32 v3, $0x1  }
0x5e: {  	v3 =	vand.u32 $0x7, v3;
	v4 =	vand.u32 $0xFFFFFFF0, v38  }
0x5f: {  	v3 =	vor.u32 v3, v4  }
0x60: {  	v4 =	vperm.xlane v3, v0;
	_ =	sdelay $0x1  }
0x61: {  	v3 =	vperm.xlane v3, v2;
	v4 =	vadd.s32 v1, v4;
	_ =	sdelay $0x1  }
0x62: {  	v3 =	vadd.s32 v1, v3;
	_ =	sdelay $0x2  }
0x63: {  	[tilespmem:s31], [sflag:$0x1] =	stream.indirect_vreg.gather [hbm4b:s1+s3], $0x80, v4, vm0, $0xb8;
	[tilespmem:$0x10100] =	vst v63  }
0x64: {  	_ = 	snop  }
0x65: {  	[tilespmem:s6], [sflag:$0x1] =	stream.indirect_vreg.gather [hbm4b:s1+s3], $0x80, v3, vm0, $0xb8;
	[tilespmem:$0x10100] =	vst v63  }
0x66: {  	v3 =	vld [tilespmem:$0x70];
	_ =	sdelay $0x4  }
0x67: {  	v39 =	vshll.u32 v3, $0x1  }
0x68: {  	v3 =	vand.u32 $0x7, v3;
	v4 =	vand.u32 $0xFFFFFFF0, v39  }
0x69: {  	v3 =	vor.u32 v3, v4  }
0x6a: {  	v4 =	vperm.xlane v3, v0;
	_ =	sdelay $0x1  }
0x6b: {  	v3 =	vperm.xlane v3, v2;
	v4 =	vadd.s32 v1, v4;
	_ =	sdelay $0x1  }
0x6c: {  	v3 =	vadd.s32 v1, v3;
	_ =	sdelay $0x1  }
0x6d: {  	s2 =	simm.s32 $0x7100  }
0x6e: {  	[tilespmem:s2], [sflag:$0x1] =	stream.indirect_vreg.gather [hbm4b:s1+s3], $0x80, v4, vm0, $0xb8;
	[tilespmem:$0x10100] =	vst v63  }
0x6f: {  	_ = 	snop  }
0x70: {  	[tilespmem:s7], [sflag:$0x1] =	stream.indirect_vreg.gather [hbm4b:s1+s3], $0x80, v3, vm0, $0xb8;
	[tilespmem:$0x10100] =	vst v63  }
0x71: {  	s13 =	simm.s32 $0x80;
	s0 =	rddreg [dreg:$0x5]  }
0x72: {  	[tilespmem:s13], [sflag:$0x5] =	stream.linear.gather [hbm4b:s0+s3], $0x80, $0x38;
	[tilespmem:$0x10100] =	vst v63  }
0x73: {  	_ =	swait.ge [sflag:s5], $0x80  }
0x74: {  	[sflag:s5] =	ssyncset.done $0x0  }
0x75: {  	[sflag:s5] =	ssyncadd.s32 $0xFFFFFF80  }
0x76: {  	v3 =	vld [tilespmem:$0x80];
	_ =	sdelay $0x4  }
0x77: {  	v40 =	vshll.u32 v3, $0x1  }
0x78: {  	v3 =	vand.u32 $0x7, v3;
	v4 =	vand.u32 $0xFFFFFFF0, v40  }
0x79: {  	v3 =	vor.u32 v3, v4  }
0x7a: {  	v4 =	vperm.xlane v3, v0;
	_ =	sdelay $0x1  }
0x7b: {  	v3 =	vperm.xlane v3, v2;
	v4 =	vadd.s32 v1, v4;
	_ =	sdelay $0x1  }
0x7c: {  	v3 =	vadd.s32 v1, v3;
	_ =	sdelay $0x1  }
0x7d: {  	s0 =	simm.s32 $0x8100  }
0x7e: {  	[tilespmem:s0], [sflag:$0x2] =	stream.indirect_vreg.gather [hbm4b:s1+s3], $0x80, v4, vm0, $0xb8;
	[tilespmem:$0x10100] =	vst v63  }
0x7f: {  	_ = 	snop  }
0x80: {  	[tilespmem:s9], [sflag:$0x2] =	stream.indirect_vreg.gather [hbm4b:s1+s3], $0x80, v3, vm0, $0xb8;
	[tilespmem:$0x10100] =	vst v63  }
0x81: {  	v3 =	vld [tilespmem:$0x90];
	_ =	sdelay $0x4  }
0x82: {  	v41 =	vshll.u32 v3, $0x1  }
0x83: {  	v3 =	vand.u32 $0x7, v3;
	v4 =	vand.u32 $0xFFFFFFF0, v41  }
0x84: {  	v3 =	vor.u32 v3, v4  }
0x85: {  	v4 =	vperm.xlane v3, v0;
	_ =	sdelay $0x1  }
0x86: {  	v3 =	vperm.xlane v3, v2;
	v4 =	vadd.s32 v1, v4;
	_ =	sdelay $0x1  }
0x87: {  	v3 =	vadd.s32 v1, v3;
	_ =	sdelay $0x2  }
0x88: {  	[tilespmem:s10], [sflag:$0x2] =	stream.indirect_vreg.gather [hbm4b:s1+s3], $0x80, v4, vm0, $0xb8;
	[tilespmem:$0x10100] =	vst v63  }
0x89: {  	_ = 	snop  }
0x8a: {  	[tilespmem:s11], [sflag:$0x2] =	stream.indirect_vreg.gather [hbm4b:s1+s3], $0x80, v3, vm0, $0xb8;
	[tilespmem:$0x10100] =	vst v63  }
0x8b: {  	v3 =	vld [tilespmem:$0xA0];
	_ =	sdelay $0x4  }
0x8c: {  	v42 =	vshll.u32 v3, $0x1  }
0x8d: {  	v3 =	vand.u32 $0x7, v3;
	v4 =	vand.u32 $0xFFFFFFF0, v42  }
0x8e: {  	v3 =	vor.u32 v3, v4  }
0x8f: {  	v4 =	vperm.xlane v3, v0;
	_ =	sdelay $0x1  }
0x90: {  	v3 =	vperm.xlane v3, v2;
	v4 =	vadd.s32 v1, v4;
	_ =	sdelay $0x1  }
0x91: {  	v3 =	vadd.s32 v1, v3;
	_ =	sdelay $0x2  }
0x92: {  	[tilespmem:s12], [sflag:$0x2] =	stream.indirect_vreg.gather [hbm4b:s1+s3], $0x80, v4, vm0, $0xb8;
	[tilespmem:$0x10100] =	vst v63  }
0x93: {  	_ = 	snop  }
0x94: {  	[tilespmem:s23], [sflag:$0x2] =	stream.indirect_vreg.gather [hbm4b:s1+s3], $0x80, v3, vm0, $0xb8;
	[tilespmem:$0x10100] =	vst v63  }
0x95: {  	v3 =	vld [tilespmem:$0xB0];
	_ =	sdelay $0x4  }
0x96: {  	v43 =	vshll.u32 v3, $0x1  }
0x97: {  	v3 =	vand.u32 $0x7, v3;
	v4 =	vand.u32 $0xFFFFFFF0, v43  }
0x98: {  	v3 =	vor.u32 v3, v4  }
0x99: {  	v4 =	vperm.xlane v3, v0;
	_ =	sdelay $0x1  }
0x9a: {  	v3 =	vperm.xlane v3, v2;
	v4 =	vadd.s32 v1, v4;
	_ =	sdelay $0x1  }
0x9b: {  	v3 =	vadd.s32 v1, v3;
	_ =	sdelay $0x1  }
0x9c: {  	s13 =	simm.s32 $0xB100  }
0x9d: {  	[tilespmem:s13], [sflag:$0x2] =	stream.indirect_vreg.gather [hbm4b:s1+s3], $0x80, v4, vm0, $0xb8;
	[tilespmem:$0x10100] =	vst v63  }
0x9e: {  	s17 =	simm.s32 $0xB900  }
0x9f: {  	[tilespmem:s17], [sflag:$0x2] =	stream.indirect_vreg.gather [hbm4b:s1+s3], $0x80, v3, vm0, $0xb8;
	[tilespmem:$0x10100] =	vst v63  }
0xa0: {  	v3 =	vld [tilespmem:$0xC0];
	_ =	sdelay $0x4  }
0xa1: {  	v44 =	vshll.u32 v3, $0x1  }
0xa2: {  	v3 =	vand.u32 $0x7, v3;
	v4 =	vand.u32 $0xFFFFFFF0, v44  }
0xa3: {  	v3 =	vor.u32 v3, v4  }
0xa4: {  	v4 =	vperm.xlane v3, v0;
	_ =	sdelay $0x1  }
0xa5: {  	v3 =	vperm.xlane v3, v2;
	v4 =	vadd.s32 v1, v4;
	_ =	sdelay $0x1  }
0xa6: {  	v3 =	vadd.s32 v1, v3;
	_ =	sdelay $0x1  }
0xa7: {  	s17 =	simm.s32 $0xC100  }
0xa8: {  	[tilespmem:s17], [sflag:$0x2] =	stream.indirect_vreg.gather [hbm4b:s1+s3], $0x80, v4, vm0, $0xb8;
	[tilespmem:$0x10100] =	vst v63  }
0xa9: {  	s17 =	simm.s32 $0xC900  }
0xaa: {  	[tilespmem:s17], [sflag:$0x2] =	stream.indirect_vreg.gather [hbm4b:s1+s3], $0x80, v3, vm0, $0xb8;
	[tilespmem:$0x10100] =	vst v63  }
0xab: {  	v3 =	vld [tilespmem:$0xD0];
	_ =	sdelay $0x4  }
0xac: {  	v45 =	vshll.u32 v3, $0x1  }
0xad: {  	v3 =	vand.u32 $0x7, v3;
	v4 =	vand.u32 $0xFFFFFFF0, v45  }
0xae: {  	v3 =	vor.u32 v3, v4  }
0xaf: {  	v4 =	vperm.xlane v3, v0;
	_ =	sdelay $0x1  }
0xb0: {  	v3 =	vperm.xlane v3, v2;
	v4 =	vadd.s32 v1, v4;
	_ =	sdelay $0x1  }
0xb1: {  	v3 =	vadd.s32 v1, v3;
	_ =	sdelay $0x1  }
0xb2: {  	s17 =	simm.s32 $0xD100  }
0xb3: {  	[tilespmem:s17], [sflag:$0x2] =	stream.indirect_vreg.gather [hbm4b:s1+s3], $0x80, v4, vm0, $0xb8;
	[tilespmem:$0x10100] =	vst v63  }
0xb4: {  	s17 =	simm.s32 $0xD900  }
0xb5: {  	[tilespmem:s17], [sflag:$0x2] =	stream.indirect_vreg.gather [hbm4b:s1+s3], $0x80, v3, vm0, $0xb8;
	[tilespmem:$0x10100] =	vst v63  }
0xb6: {  	v3 =	vld [tilespmem:$0xE0];
	_ =	sdelay $0x4  }
0xb7: {  	v46 =	vshll.u32 v3, $0x1  }
0xb8: {  	v3 =	vand.u32 $0x7, v3;
	v4 =	vand.u32 $0xFFFFFFF0, v46  }
0xb9: {  	v3 =	vor.u32 v3, v4  }
0xba: {  	v4 =	vperm.xlane v3, v0;
	_ =	sdelay $0x1  }
0xbb: {  	v3 =	vperm.xlane v3, v2;
	v4 =	vadd.s32 v1, v4;
	_ =	sdelay $0x1  }
0xbc: {  	v3 =	vadd.s32 v1, v3;
	_ =	sdelay $0x1  }
0xbd: {  	s17 =	simm.s32 $0xE100  }
0xbe: {  	[tilespmem:s17], [sflag:$0x2] =	stream.indirect_vreg.gather [hbm4b:s1+s3], $0x80, v4, vm0, $0xb8;
	[tilespmem:$0x10100] =	vst v63  }
0xbf: {  	s17 =	simm.s32 $0xE900  }
0xc0: {  	[tilespmem:s17], [sflag:$0x2] =	stream.indirect_vreg.gather [hbm4b:s1+s3], $0x80, v3, vm0, $0xb8;
	[tilespmem:$0x10100] =	vst v63  }
0xc1: {  	v3 =	vld [tilespmem:$0xF0];
	_ =	sdelay $0x4  }
0xc2: {  	v47 =	vshll.u32 v3, $0x1  }
0xc3: {  	v3 =	vand.u32 $0x7, v3;
	v4 =	vand.u32 $0xFFFFFFF0, v47  }
0xc4: {  	v3 =	vor.u32 v3, v4  }
0xc5: {  	v4 =	vperm.xlane v3, v0;
	_ =	sdelay $0x1  }
0xc6: {  	v3 =	vperm.xlane v3, v2;
	v4 =	vadd.s32 v1, v4;
	_ =	sdelay $0x1  }
0xc7: {  	v3 =	vadd.s32 v1, v3;
	_ =	sdelay $0x1  }
0xc8: {  	s17 =	simm.s32 $0xF100  }
0xc9: {  	[tilespmem:s17], [sflag:$0x2] =	stream.indirect_vreg.gather [hbm4b:s1+s3], $0x80, v4, vm0, $0xb8;
	[tilespmem:$0x10100] =	vst v63  }
0xca: {  	s17 =	simm.s32 $0xF900  }
0xcb: {  	[tilespmem:s17], [sflag:$0x2] =	stream.indirect_vreg.gather [hbm4b:s1+s3], $0x80, v3, vm0, $0xb8;
	[tilespmem:$0x10100] =	vst v63  }
0xcc: {  	_ =	swait.ge [sflag:s8], $0x8000  }
0xcd: {  	[sflag:s8] =	ssyncset.done $0x0  }
0xce: {  	s13 =	simm.s32 $0x100;
	s17 =	rddreg [dreg:$0x6];
	[sflag:s8] =	ssyncadd.s32 $0xFFFF8000  }
0xcf: {  	[hbm4b:s17+s3] =	stream.linear.scatter [tilespmem:s13], [sflag:$0x3], $0x8000, $0x38;
	[tilespmem:$0x10100] =	vst v63  }
0xd0: {  	_ =	swait.ge [sflag:s14], $0x8000  }
0xd1: {  	[sflag:s14] =	ssyncset.done $0x0  }
0xd2: {  	s17 =	rddreg [dreg:$0x7];
	[sflag:s14] =	ssyncadd.s32 $0xFFFF8000  }
0xd3: {  	[tilespmem:s3], [sflag:$0x5] =	stream.linear.gather [hbm4b:s17+s3], $0x80, $0x38;
	[tilespmem:$0x10100] =	vst v63  }
0xd4: {  	_ =	swait.ge [sflag:s5], $0x80  }
0xd5: {  	[sflag:s5] =	ssyncset.done $0x0  }
0xd6: {  	[sflag:s5] =	ssyncadd.s32 $0xFFFFFF80  }
0xd7: {  	v3 =	vld [tilespmem:$0x0];
	_ =	sdelay $0x4  }
0xd8: {  	v48 =	vshll.u32 v3, $0x1  }
0xd9: {  	v3 =	vand.u32 $0x7, v3;
	v4 =	vand.u32 $0xFFFFFFF0, v48  }
0xda: {  	v3 =	vor.u32 v3, v4  }
0xdb: {  	v4 =	vperm.xlane v3, v0;
	_ =	sdelay $0x1  }
0xdc: {  	v3 =	vperm.xlane v3, v2;
	v4 =	vadd.s32 v1, v4;
	_ =	sdelay $0x1  }
0xdd: {  	v3 =	vadd.s32 v1, v3;
	_ =	sdelay $0x2  }
0xde: {  	[tilespmem:s13], [sflag:$0x1] =	stream.indirect_vreg.gather [hbm4b:s1+s3], $0x80, v4, vm0, $0xb8;
	[tilespmem:$0x10100] =	vst v63  }
0xdf: {  	_ = 	snop  }
0xe0: {  	[tilespmem:s18], [sflag:$0x1] =	stream.indirect_vreg.gather [hbm4b:s1+s3], $0x80, v3, vm0, $0xb8;
	[tilespmem:$0x10100] =	vst v63  }
0xe1: {  	v3 =	vld [tilespmem:$0x10];
	_ =	sdelay $0x4  }
0xe2: {  	v49 =	vshll.u32 v3, $0x1  }
0xe3: {  	v3 =	vand.u32 $0x7, v3;
	v4 =	vand.u32 $0xFFFFFFF0, v49  }
0xe4: {  	v3 =	vor.u32 v3, v4  }
0xe5: {  	v4 =	vperm.xlane v3, v0;
	_ =	sdelay $0x1  }
0xe6: {  	v3 =	vperm.xlane v3, v2;
	v4 =	vadd.s32 v1, v4;
	_ =	sdelay $0x1  }
0xe7: {  	v3 =	vadd.s32 v1, v3;
	_ =	sdelay $0x2  }
0xe8: {  	[tilespmem:s19], [sflag:$0x1] =	stream.indirect_vreg.gather [hbm4b:s1+s3], $0x80, v4, vm0, $0xb8;
	[tilespmem:$0x10100] =	vst v63  }
0xe9: {  	_ = 	snop  }
0xea: {  	[tilespmem:s20], [sflag:$0x1] =	stream.indirect_vreg.gather [hbm4b:s1+s3], $0x80, v3, vm0, $0xb8;
	[tilespmem:$0x10100] =	vst v63  }
0xeb: {  	v3 =	vld [tilespmem:$0x20];
	_ =	sdelay $0x4  }
0xec: {  	v50 =	vshll.u32 v3, $0x1  }
0xed: {  	v3 =	vand.u32 $0x7, v3;
	v4 =	vand.u32 $0xFFFFFFF0, v50  }
0xee: {  	v3 =	vor.u32 v3, v4  }
0xef: {  	v4 =	vperm.xlane v3, v0;
	_ =	sdelay $0x1  }
0xf0: {  	v3 =	vperm.xlane v3, v2;
	v4 =	vadd.s32 v1, v4;
	_ =	sdelay $0x1  }
0xf1: {  	v3 =	vadd.s32 v1, v3;
	_ =	sdelay $0x2  }
0xf2: {  	[tilespmem:s21], [sflag:$0x1] =	stream.indirect_vreg.gather [hbm4b:s1+s3], $0x80, v4, vm0, $0xb8;
	[tilespmem:$0x10100] =	vst v63  }
0xf3: {  	_ = 	snop  }
0xf4: {  	[tilespmem:s22], [sflag:$0x1] =	stream.indirect_vreg.gather [hbm4b:s1+s3], $0x80, v3, vm0, $0xb8;
	[tilespmem:$0x10100] =	vst v63  }
0xf5: {  	v3 =	vld [tilespmem:$0x30];
	_ =	sdelay $0x4  }
0xf6: {  	v51 =	vshll.u32 v3, $0x1  }
0xf7: {  	v3 =	vand.u32 $0x7, v3;
	v4 =	vand.u32 $0xFFFFFFF0, v51  }
0xf8: {  	v3 =	vor.u32 v3, v4  }
0xf9: {  	v4 =	vperm.xlane v3, v0;
	_ =	sdelay $0x1  }
0xfa: {  	v3 =	vperm.xlane v3, v2;
	v4 =	vadd.s32 v1, v4;
	_ =	sdelay $0x1  }
0xfb: {  	v3 =	vadd.s32 v1, v3;
	_ =	sdelay $0x2  }
0xfc: {  	[tilespmem:s24], [sflag:$0x1] =	stream.indirect_vreg.gather [hbm4b:s1+s3], $0x80, v4, vm0, $0xb8;
	[tilespmem:$0x10100] =	vst v63  }
0xfd: {  	_ = 	snop  }
0xfe: {  	[tilespmem:s25], [sflag:$0x1] =	stream.indirect_vreg.gather [hbm4b:s1+s3], $0x80, v3, vm0, $0xb8;
	[tilespmem:$0x10100] =	vst v63  }
0xff: {  	v3 =	vld [tilespmem:$0x40];
	_ =	sdelay $0x4  }
0x100: {  	v52 =	vshll.u32 v3, $0x1  }
0x101: {  	v3 =	vand.u32 $0x7, v3;
	v4 =	vand.u32 $0xFFFFFFF0, v52  }
0x102: {  	v3 =	vor.u32 v3, v4  }
0x103: {  	v4 =	vperm.xlane v3, v0;
	_ =	sdelay $0x1  }
0x104: {  	v3 =	vperm.xlane v3, v2;
	v4 =	vadd.s32 v1, v4;
	_ =	sdelay $0x1  }
0x105: {  	v3 =	vadd.s32 v1, v3;
	_ =	sdelay $0x2  }
0x106: {  	[tilespmem:s26], [sflag:$0x1] =	stream.indirect_vreg.gather [hbm4b:s1+s3], $0x80, v4, vm0, $0xb8;
	[tilespmem:$0x10100] =	vst v63  }
0x107: {  	_ = 	snop  }
0x108: {  	[tilespmem:s28], [sflag:$0x1] =	stream.indirect_vreg.gather [hbm4b:s1+s3], $0x80, v3, vm0, $0xb8;
	[tilespmem:$0x10100] =	vst v63  }
0x109: {  	v3 =	vld [tilespmem:$0x50];
	_ =	sdelay $0x4  }
0x10a: {  	v53 =	vshll.u32 v3, $0x1  }
0x10b: {  	v3 =	vand.u32 $0x7, v3;
	v4 =	vand.u32 $0xFFFFFFF0, v53  }
0x10c: {  	v3 =	vor.u32 v3, v4  }
0x10d: {  	v4 =	vperm.xlane v3, v0;
	_ =	sdelay $0x1  }
0x10e: {  	v3 =	vperm.xlane v3, v2;
	v4 =	vadd.s32 v1, v4;
	_ =	sdelay $0x1  }
0x10f: {  	v3 =	vadd.s32 v1, v3;
	_ =	sdelay $0x2  }
0x110: {  	[tilespmem:s29], [sflag:$0x1] =	stream.indirect_vreg.gather [hbm4b:s1+s3], $0x80, v4, vm0, $0xb8;
	[tilespmem:$0x10100] =	vst v63  }
0x111: {  	_ = 	snop  }
0x112: {  	[tilespmem:s30], [sflag:$0x1] =	stream.indirect_vreg.gather [hbm4b:s1+s3], $0x80, v3, vm0, $0xb8;
	[tilespmem:$0x10100] =	vst v63  }
0x113: {  	v3 =	vld [tilespmem:$0x60];
	_ =	sdelay $0x4  }
0x114: {  	v54 =	vshll.u32 v3, $0x1  }
0x115: {  	v3 =	vand.u32 $0x7, v3;
	v4 =	vand.u32 $0xFFFFFFF0, v54  }
0x116: {  	v3 =	vor.u32 v3, v4  }
0x117: {  	v4 =	vperm.xlane v3, v0;
	_ =	sdelay $0x1  }
0x118: {  	v3 =	vperm.xlane v3, v2;
	v4 =	vadd.s32 v1, v4;
	_ =	sdelay $0x1  }
0x119: {  	v3 =	vadd.s32 v1, v3;
	_ =	sdelay $0x2  }
0x11a: {  	[tilespmem:s31], [sflag:$0x1] =	stream.indirect_vreg.gather [hbm4b:s1+s3], $0x80, v4, vm0, $0xb8;
	[tilespmem:$0x10100] =	vst v63  }
0x11b: {  	_ = 	snop  }
0x11c: {  	[tilespmem:s6], [sflag:$0x1] =	stream.indirect_vreg.gather [hbm4b:s1+s3], $0x80, v3, vm0, $0xb8;
	[tilespmem:$0x10100] =	vst v63  }
0x11d: {  	v3 =	vld [tilespmem:$0x70];
	_ =	sdelay $0x4  }
0x11e: {  	v55 =	vshll.u32 v3, $0x1  }
0x11f: {  	v3 =	vand.u32 $0x7, v3;
	v4 =	vand.u32 $0xFFFFFFF0, v55  }
0x120: {  	v3 =	vor.u32 v3, v4  }
0x121: {  	v4 =	vperm.xlane v3, v0;
	_ =	sdelay $0x1  }
0x122: {  	v3 =	vperm.xlane v3, v2;
	v4 =	vadd.s32 v1, v4;
	_ =	sdelay $0x1  }
0x123: {  	v3 =	vadd.s32 v1, v3;
	_ =	sdelay $0x2  }
0x124: {  	[tilespmem:s2], [sflag:$0x1] =	stream.indirect_vreg.gather [hbm4b:s1+s3], $0x80, v4, vm0, $0xb8;
	[tilespmem:$0x10100] =	vst v63  }
0x125: {  	_ = 	snop  }
0x126: {  	[tilespmem:s7], [sflag:$0x1] =	stream.indirect_vreg.gather [hbm4b:s1+s3], $0x80, v3, vm0, $0xb8;
	[tilespmem:$0x10100] =	vst v63  }
0x127: {  	_ =	swait.ge [sflag:s15], $0x8000  }
0x128: {  	[sflag:s15] =	ssyncset.done $0x0  }
0x129: {  	s2 =	rddreg [dreg:$0x8];
	[sflag:s15] =	ssyncadd.s32 $0xFFFF8000  }
0x12a: {  	[hbm4b:s2+s3] =	stream.linear.scatter [tilespmem:s0], [sflag:$0x4], $0x8000, $0x38;
	[tilespmem:$0x10100] =	vst v63  }
0x12b: {  	_ =	swait.ge [sflag:s16], $0x8000  }
0x12c: {  	[sflag:s16] =	ssyncset.done $0x0  }
0x12d: {  	s2 =	simm.s32 $0x80;
	s17 =	rddreg [dreg:$0x9];
	[sflag:s16] =	ssyncadd.s32 $0xFFFF8000  }
0x12e: {  	[tilespmem:s2], [sflag:$0x5] =	stream.linear.gather [hbm4b:s17+s3], $0x80, $0x38;
	[tilespmem:$0x10100] =	vst v63  }
0x12f: {  	_ =	swait.ge [sflag:s5], $0x80  }
0x130: {  	[sflag:s5] =	ssyncset.done $0x0  }
0x131: {  	[sflag:s5] =	ssyncadd.s32 $0xFFFFFF80  }
0x132: {  	v3 =	vld [tilespmem:$0x80];
	_ =	sdelay $0x4  }
0x133: {  	v56 =	vshll.u32 v3, $0x1  }
0x134: {  	v3 =	vand.u32 $0x7, v3;
	v4 =	vand.u32 $0xFFFFFFF0, v56  }
0x135: {  	v3 =	vor.u32 v3, v4  }
0x136: {  	v4 =	vperm.xlane v3, v0;
	_ =	sdelay $0x1  }
0x137: {  	v3 =	vperm.xlane v3, v2;
	v4 =	vadd.s32 v1, v4;
	_ =	sdelay $0x1  }
0x138: {  	v3 =	vadd.s32 v1, v3;
	_ =	sdelay $0x2  }
0x139: {  	[tilespmem:s0], [sflag:$0x2] =	stream.indirect_vreg.gather [hbm4b:s1+s3], $0x80, v4, vm0, $0xb8;
	[tilespmem:$0x10100] =	vst v63  }
0x13a: {  	_ = 	snop  }
0x13b: {  	[tilespmem:s9], [sflag:$0x2] =	stream.indirect_vreg.gather [hbm4b:s1+s3], $0x80, v3, vm0, $0xb8;
	[tilespmem:$0x10100] =	vst v63  }
0x13c: {  	v3 =	vld [tilespmem:$0x90];
	_ =	sdelay $0x4  }
0x13d: {  	v57 =	vshll.u32 v3, $0x1  }
0x13e: {  	v3 =	vand.u32 $0x7, v3;
	v4 =	vand.u32 $0xFFFFFFF0, v57  }
0x13f: {  	v3 =	vor.u32 v3, v4  }
0x140: {  	v4 =	vperm.xlane v3, v0;
	_ =	sdelay $0x1  }
0x141: {  	v3 =	vperm.xlane v3, v2;
	v4 =	vadd.s32 v1, v4;
	_ =	sdelay $0x1  }
0x142: {  	v3 =	vadd.s32 v1, v3;
	_ =	sdelay $0x2  }
0x143: {  	[tilespmem:s10], [sflag:$0x2] =	stream.indirect_vreg.gather [hbm4b:s1+s3], $0x80, v4, vm0, $0xb8;
	[tilespmem:$0x10100] =	vst v63  }
0x144: {  	_ = 	snop  }
0x145: {  	[tilespmem:s11], [sflag:$0x2] =	stream.indirect_vreg.gather [hbm4b:s1+s3], $0x80, v3, vm0, $0xb8;
	[tilespmem:$0x10100] =	vst v63  }
0x146: {  	v3 =	vld [tilespmem:$0xA0];
	_ =	sdelay $0x4  }
0x147: {  	v58 =	vshll.u32 v3, $0x1  }
0x148: {  	v3 =	vand.u32 $0x7, v3;
	v4 =	vand.u32 $0xFFFFFFF0, v58  }
0x149: {  	v3 =	vor.u32 v3, v4  }
0x14a: {  	v4 =	vperm.xlane v3, v0;
	_ =	sdelay $0x1  }
0x14b: {  	v3 =	vperm.xlane v3, v2;
	v4 =	vadd.s32 v1, v4;
	_ =	sdelay $0x1  }
0x14c: {  	v3 =	vadd.s32 v1, v3;
	_ =	sdelay $0x2  }
0x14d: {  	[tilespmem:s12], [sflag:$0x2] =	stream.indirect_vreg.gather [hbm4b:s1+s3], $0x80, v4, vm0, $0xb8;
	[tilespmem:$0x10100] =	vst v63  }
0x14e: {  	_ = 	snop  }
0x14f: {  	[tilespmem:s23], [sflag:$0x2] =	stream.indirect_vreg.gather [hbm4b:s1+s3], $0x80, v3, vm0, $0xb8;
	[tilespmem:$0x10100] =	vst v63  }
0x150: {  	v3 =	vld [tilespmem:$0xB0];
	_ =	sdelay $0x4  }
0x151: {  	v59 =	vshll.u32 v3, $0x1  }
0x152: {  	v3 =	vand.u32 $0x7, v3;
	v4 =	vand.u32 $0xFFFFFFF0, v59  }
0x153: {  	v3 =	vor.u32 v3, v4  }
0x154: {  	v4 =	vperm.xlane v3, v0;
	_ =	sdelay $0x1  }
0x155: {  	v3 =	vperm.xlane v3, v2;
	v4 =	vadd.s32 v1, v4;
	_ =	sdelay $0x1  }
0x156: {  	v3 =	vadd.s32 v1, v3;
	_ =	sdelay $0x1  }
0x157: {  	s17 =	simm.s32 $0xB100  }
0x158: {  	[tilespmem:s17], [sflag:$0x2] =	stream.indirect_vreg.gather [hbm4b:s1+s3], $0x80, v4, vm0, $0xb8;
	[tilespmem:$0x10100] =	vst v63  }
0x159: {  	s17 =	simm.s32 $0xB900  }
0x15a: {  	[tilespmem:s17], [sflag:$0x2] =	stream.indirect_vreg.gather [hbm4b:s1+s3], $0x80, v3, vm0, $0xb8;
	[tilespmem:$0x10100] =	vst v63  }
0x15b: {  	v3 =	vld [tilespmem:$0xC0];
	_ =	sdelay $0x4  }
0x15c: {  	v60 =	vshll.u32 v3, $0x1  }
0x15d: {  	v3 =	vand.u32 $0x7, v3;
	v4 =	vand.u32 $0xFFFFFFF0, v60  }
0x15e: {  	v3 =	vor.u32 v3, v4  }
0x15f: {  	v4 =	vperm.xlane v3, v0;
	_ =	sdelay $0x1  }
0x160: {  	v3 =	vperm.xlane v3, v2;
	v4 =	vadd.s32 v1, v4;
	_ =	sdelay $0x1  }
0x161: {  	v3 =	vadd.s32 v1, v3;
	_ =	sdelay $0x1  }
0x162: {  	s17 =	simm.s32 $0xC100  }
0x163: {  	[tilespmem:s17], [sflag:$0x2] =	stream.indirect_vreg.gather [hbm4b:s1+s3], $0x80, v4, vm0, $0xb8;
	[tilespmem:$0x10100] =	vst v63  }
0x164: {  	s17 =	simm.s32 $0xC900  }
0x165: {  	[tilespmem:s17], [sflag:$0x2] =	stream.indirect_vreg.gather [hbm4b:s1+s3], $0x80, v3, vm0, $0xb8;
	[tilespmem:$0x10100] =	vst v63  }
0x166: {  	v3 =	vld [tilespmem:$0xD0];
	_ =	sdelay $0x4  }
0x167: {  	v61 =	vshll.u32 v3, $0x1  }
0x168: {  	v3 =	vand.u32 $0x7, v3;
	v4 =	vand.u32 $0xFFFFFFF0, v61  }
0x169: {  	v3 =	vor.u32 v3, v4  }
0x16a: {  	v4 =	vperm.xlane v3, v0;
	_ =	sdelay $0x1  }
0x16b: {  	v3 =	vperm.xlane v3, v2;
	v4 =	vadd.s32 v1, v4;
	_ =	sdelay $0x1  }
0x16c: {  	v3 =	vadd.s32 v1, v3;
	_ =	sdelay $0x1  }
0x16d: {  	s17 =	simm.s32 $0xD100  }
0x16e: {  	[tilespmem:s17], [sflag:$0x2] =	stream.indirect_vreg.gather [hbm4b:s1+s3], $0x80, v4, vm0, $0xb8;
	[tilespmem:$0x10100] =	vst v63  }
0x16f: {  	s17 =	simm.s32 $0xD900  }
0x170: {  	[tilespmem:s17], [sflag:$0x2] =	stream.indirect_vreg.gather [hbm4b:s1+s3], $0x80, v3, vm0, $0xb8;
	[tilespmem:$0x10100] =	vst v63  }
0x171: {  	v3 =	vld [tilespmem:$0xE0];
	_ =	sdelay $0x4  }
0x172: {  	v62 =	vshll.u32 v3, $0x1  }
0x173: {  	v3 =	vand.u32 $0x7, v3;
	v4 =	vand.u32 $0xFFFFFFF0, v62  }
0x174: {  	v3 =	vor.u32 v3, v4  }
0x175: {  	v4 =	vperm.xlane v3, v0;
	_ =	sdelay $0x1  }
0x176: {  	v3 =	vperm.xlane v3, v2;
	v4 =	vadd.s32 v1, v4;
	_ =	sdelay $0x1  }
0x177: {  	v3 =	vadd.s32 v1, v3;
	_ =	sdelay $0x1  }
0x178: {  	s17 =	simm.s32 $0xE100  }
0x179: {  	[tilespmem:s17], [sflag:$0x2] =	stream.indirect_vreg.gather [hbm4b:s1+s3], $0x80, v4, vm0, $0xb8;
	[tilespmem:$0x10100] =	vst v63  }
0x17a: {  	s17 =	simm.s32 $0xE900  }
0x17b: {  	[tilespmem:s17], [sflag:$0x2] =	stream.indirect_vreg.gather [hbm4b:s1+s3], $0x80, v3, vm0, $0xb8;
	[tilespmem:$0x10100] =	vst v63  }
0x17c: {  	v3 =	vld [tilespmem:$0xF0];
	_ =	sdelay $0x4  }
0x17d: {  	v63 =	vshll.u32 v3, $0x1  }
0x17e: {  	v3 =	vand.u32 $0x7, v3;
	v4 =	vand.u32 $0xFFFFFFF0, v63  }
0x17f: {  	v3 =	vor.u32 v3, v4  }
0x180: {  	v4 =	vperm.xlane v3, v0;
	_ =	sdelay $0x1  }
0x181: {  	v3 =	vperm.xlane v3, v2;
	v4 =	vadd.s32 v1, v4;
	_ =	sdelay $0x1  }
0x182: {  	v3 =	vadd.s32 v1, v3;
	_ =	sdelay $0x1  }
0x183: {  	s17 =	simm.s32 $0xF100  }
0x184: {  	[tilespmem:s17], [sflag:$0x2] =	stream.indirect_vreg.gather [hbm4b:s1+s3], $0x80, v4, vm0, $0xb8;
	[tilespmem:$0x10100] =	vst v63  }
0x185: {  	s17 =	simm.s32 $0xF900  }
0x186: {  	[tilespmem:s17], [sflag:$0x2] =	stream.indirect_vreg.gather [hbm4b:s1+s3], $0x80, v3, vm0, $0xb8;
	[tilespmem:$0x10100] =	vst v63  }
0x187: {  	_ =	swait.ge [sflag:s8], $0x8000  }
0x188: {  	[sflag:s8] =	ssyncset.done $0x0  }
0x189: {  	s13 =	simm.s32 $0x100;
	s2 =	rddreg [dreg:$0xa];
	[sflag:s8] =	ssyncadd.s32 $0xFFFF8000  }
0x18a: {  	[hbm4b:s2+s3] =	stream.linear.scatter [tilespmem:s13], [sflag:$0x3], $0x8000, $0x38;
	[tilespmem:$0x10100] =	vst v63  }
0x18b: {  	_ =	swait.ge [sflag:s15], $0x8000  }
0x18c: {  	[sflag:s15] =	ssyncset.done $0x0  }
0x18d: {  	s13 =	rddreg [dreg:$0xb];
	[sflag:s15] =	ssyncadd.s32 $0xFFFF8000  }
0x18e: {  	[hbm4b:s13+s3] =	stream.linear.scatter [tilespmem:s0], [sflag:$0x4], $0x8000, $0x38;
	[tilespmem:$0x10100] =	vst v63  }
0x18f: {  	p0 =	sne.s32 s4, $0x1;
	_ =	swait.ge [sflag:s16], $0x8000  }
.Ltmp0:
0x190: {  	[sflag:s16] =	ssyncset.done $0x0;
	(pc) =	sbr.rel @p0 .LBB2_1-.Ltmp0, $4  }
0x191: {  	[sflag:s16] =	ssyncadd.s32 $0xFFFF8000  }
0x192: {  	_ =	swait.ge [sflag:s14], $0x8000  }
0x193: {  	[sflag:s14] =	ssyncset.done $0x0  }
0x194: {  	s4 =	sadd.s32 $0xFFFFFFFF, s4;
	[sflag:s14] =	ssyncadd.s32 $0xFFFF8000  }
0x195: {  	_ =	sfence.sel $0x180000  }
0x196: {  	[bflag:$0x0] =	sbarrier.arrive $0xFFFF  }
0x197: {  	_ =	strace $0x90000047  }
0x198: {  	s0 =	stileid.u32;
	[bflag:$0x2] =	sbarrier.arrive $0xFFFF  }
0x199: {  	p0 =	sne.s32 s0, $0x0;
	s0 =	rddreg [dreg:$0x3]  }
0x19a: {  	s0 =	sadd.s32 @!p0 $0x100000, s0  }
0x19b: {  	[sflag:s0] =	ssyncadd.tile.s32 @!p0 $0x1;
	_ =	shalt  }
.Lfunc_end2:
_tile_overlayer_lowered:
.L_overlay_start_2:
0x19c: {  	(tag) =	ssettag $0x2  }
0x19d: {  	s0 =	rddreg [dreg:$0x0];
	s2 =	stileid.u32  }
0x19e: {  	s1 =	rddreg [dreg:$0x1];
	p0 =	sne.s32 s2, $0x0  }
0x19f: {  	s3 =	rddreg [dreg:$0x2];
	[bflag:$0x3] =	sbarrier.arrive $0xFFFF;
	s2 =	simm.s32 @!p0 $0x1C05  }
0x1a0: {  	[timem:s3], [sflag:s2] =	dma.local @!p0 [hbm:s0], s1  }
0x1a1: {  	s0 =	simm.s32 @!p0 $0x5  }
0x1a2: {  	_ =	swait.ge @!p0 [sflag:s0], s1  }
0x1a3: {  	s1 =	ssub.s32 @!p0 $0x0, s1;
	[sflag:s0] =	ssyncset.done @!p0 $0x0  }
0x1a4: {  	[sflag:s0] =	ssyncadd.s32 @!p0 s1  }
0x1a5: {  	[bflag:$0x3] =	sbarrier.arrive $0xFFFF  }
0x1a6: {  	_ =	shalt  }

</sc_bundles>
